<compile_context>
chip_gen: v7x
topology: tpu7x:2x2x1
jax: 0.10.2.dev20260603
libtpu: 0.0.44.dev20260713+nightly
codegen_flags: <defaults>
</compile_context>

<pallas_src>
import functools

import jax
import jax.numpy as jnp
from jax import lax
from jax.experimental import pallas as pl
from jax.experimental.pallas import tpu as pltpu
from jax.experimental.pallas import tpu_sc as plsc

_NC = 2
_NS = 16
_NW = _NC * _NS
_LANES = 16
_NBUF = 3
_DP = 128


def _make_sc_pool(B, L, V, D):
    bpw = B // _NW
    na = 128
    nb = L - na
    nchunk = D // _LANES

    mesh = plsc.VectorSubcoreMesh(
        core_axis_name="c", subcore_axis_name="s",
        num_cores=_NC, num_subcores=_NS)

    @functools.partial(
        pl.kernel,
        out_type=jax.ShapeDtypeStruct((B, D), jnp.float32),
        mesh=mesh,
        scratch_types=[
            pltpu.VMEM((bpw, L), jnp.int32),
            pltpu.VMEM((_NBUF, L, _DP), jnp.float32),
            pltpu.VMEM((bpw, D), jnp.float32),
            pltpu.SemaphoreType.DMA,
            pltpu.SemaphoreType.DMA,
            pltpu.SemaphoreType.DMA,
        ],
    )
    def sc_pool(idx_hbm, table_hbm, out_hbm, idx_v, rows_v, pooled_v,
                sem0, sem1, sem2):
        sems = (sem0, sem1, sem2)
        wid = lax.axis_index("s") * _NC + lax.axis_index("c")
        base = wid * bpw
        pltpu.sync_copy(idx_hbm.at[pl.ds(base, bpw)], idx_v)

        def issue(r, buf):
            pltpu.async_copy(table_hbm.at[idx_v.at[r, pl.ds(0, na)]],
                             rows_v.at[buf, pl.ds(0, na)], sems[buf])
            pltpu.async_copy(table_hbm.at[idx_v.at[r, pl.ds(na, nb)]],
                             rows_v.at[buf, pl.ds(na, nb)], sems[buf])

        def wait(buf):
            pltpu.make_async_copy(table_hbm.at[pl.ds(0, L)],
                                  rows_v.at[buf], sems[buf]).wait()

        def accum_store(r, buf):
            def body(i, accs):
                return tuple(
                    a + rows_v[buf, i, pl.ds(c * _LANES, _LANES)]
                    for c, a in enumerate(accs))
            zero = jnp.zeros((_LANES,), jnp.float32)
            accs = lax.fori_loop(0, L, body, (zero,) * nchunk)
            for c in range(nchunk):
                pooled_v[r, pl.ds(c * _LANES, _LANES)] = accs[c]

        for buf in range(_NBUF):
            issue(buf, buf)

        def outer(k, carry):
            r0 = k * _NBUF
            for buf in range(_NBUF):
                wait(buf)
                accum_store(r0 + buf, buf)
                issue(r0 + buf + _NBUF, buf)
            return carry

        n_full = bpw // _NBUF - 1
        lax.fori_loop(0, n_full, outer, 0)
        r0 = n_full * _NBUF
        nissued = r0 + _NBUF
        for j in range(bpw - r0):
            r = r0 + j
            wait(r % _NBUF)
            accum_store(r, r % _NBUF)
            if nissued < bpw:
                issue(nissued, nissued % _NBUF)
                nissued += 1

        pltpu.sync_copy(pooled_v, out_hbm.at[pl.ds(base, bpw)])

    return sc_pool


def _transpose_body(x_ref, o_ref):
    xt = x_ref[...].T
    o_ref[...] = jnp.concatenate(
        [xt, jnp.zeros_like(xt)], axis=1)


def _widen_table(tableT, tile_v=8192):
    D, V = tableT.shape
    grid = (pl.cdiv(V, tile_v),)
    return pl.pallas_call(
        _transpose_body,
        grid=grid,
        in_specs=[pl.BlockSpec((D, tile_v), lambda i: (0, i))],
        out_specs=pl.BlockSpec((tile_v, _DP), lambda i: (i, 0)),
        out_shape=jax.ShapeDtypeStruct((V, _DP), jnp.float32),
    )(tableT)


def _mlp_body(x_ref, tl_ref, w1_ref, b1_ref, w2_ref, b2_ref, o_ref):
    x = x_ref[...] / tl_ref[...]
    h = lax.dot_general(x, w1_ref[...], (((1,), (1,)), ((), ())),
                        preferred_element_type=jnp.float32)
    h = jnp.maximum(h + b1_ref[...], 0.0)
    o = lax.dot_general(h, w2_ref[...], (((1,), (1,)), ((), ())),
                        preferred_element_type=jnp.float32)
    o_ref[...] = o + b2_ref[...]


def _mlp(pooled, text_len, W1, b1, W2, b2, tile_b=512):
    B, D = pooled.shape
    H = W1.shape[0]
    C = W2.shape[0]
    grid = (B // tile_b,)
    return pl.pallas_call(
        _mlp_body,
        grid=grid,
        in_specs=[
            pl.BlockSpec((tile_b, D), lambda i: (i, 0)),
            pl.BlockSpec((tile_b, 1), lambda i: (i, 0)),
            pl.BlockSpec((H, D), lambda i: (0, 0)),
            pl.BlockSpec((1, H), lambda i: (0, 0)),
            pl.BlockSpec((C, H), lambda i: (0, 0)),
            pl.BlockSpec((1, C), lambda i: (0, 0)),
        ],
        out_specs=pl.BlockSpec((tile_b, C), lambda i: (i, 0)),
        out_shape=jax.ShapeDtypeStruct((B, C), jnp.float32),
    )(pooled, text_len.reshape(B, 1), W1, b1.reshape(1, H), W2,
      b2.reshape(1, C))


def kernel(input_text, text_len, table, W1, b1, W2, b2):
    B, L = input_text.shape
    V, D = table.shape
    tab128 = _widen_table(table.T)
    pooled = _make_sc_pool(B, L, V, D)(input_text, tab128)
    return _mlp(pooled, text_len, W1, b1, W2, b2)

# --- scband reference (transcript-rebuilt; emitter-appended) ---
"""Pipeline reference for scband-dan-model-31619549233647 (READ-ONLY COPY).

The authoritative reference and input builder live on the scoring server;
editing this copy changes nothing except your own understanding.
"""

import jax, jax.numpy as jnp
import numpy as np

B, L, V, D, H, C = 4096, 200, 1000000, 64, 128, 1000

def setup_inputs(seed: int = 0) -> dict:
    key = jax.random.key(seed)
    k1, k2, k3, k4, k5 = jax.random.split(key, 5)
    input_text = jax.random.randint(k1, (B, L), 0, V, dtype=jnp.int64 if jax.config.jax_enable_x64 else jnp.int32).astype(jnp.int32)
    text_len = jnp.ones((B,), dtype=jnp.float32)
    table = jax.random.normal(k2, (V, D), dtype=jnp.float32) * 0.1
    table = table.at[0].set(0.0)  # padding_idx=0 row is zeros
    W1 = jax.random.normal(k3, (H, D), dtype=jnp.float32) * (1.0 / np.sqrt(D))
    b1 = jnp.zeros((H,), dtype=jnp.float32)
    W2 = jax.random.normal(k4, (C, H), dtype=jnp.float32) * (1.0 / np.sqrt(H))
    b2 = jnp.zeros((C,), dtype=jnp.float32)
    return {"input_text": input_text, "text_len": text_len, "table": table,
            "W1": W1, "b1": b1, "W2": W2, "b2": b2}

def reference(input_text, text_len, table, W1, b1, W2, b2):
    # nn.Embedding lookup (padding_idx=0 row is zero in the table)
    text_embed = jnp.take(table, input_text, axis=0)          # [B, L, D]
    encoded = text_embed.sum(axis=1)                           # [B, D]
    encoded = encoded / text_len.reshape(text_embed.shape[0], -1)
    # classifier: Linear -> ReLU -> Dropout(eval: identity) -> Linear
    h = jax.nn.relu(encoded @ W1.T + b1)
    logits = h @ W2.T + b2
    return logits

if __name__ == "__main__":
    import jax
    _d = setup_inputs()
    print(jax.jit(kernel)(*tuple(_d.values())))

</pallas_src>

<mosaic_0001>
#map = affine_map<(d0, d1) -> (0, 0)>
module attributes {stable_mosaic.version = 14 : i64} {
  func.func @sc_pool(%arg0: i32, %arg1: i32, %arg2: memref<4096x200xi32, #tpu.memory_space<hbm>>, %arg3: memref<1000000x128xf32, #tpu.memory_space<hbm>>, %arg4: memref<4096x64xf32, #tpu.memory_space<hbm>>, %arg5: memref<128x200xi32, #tpu.memory_space<vmem>>, %arg6: memref<3x200x128xf32, #tpu.memory_space<vmem>>, %arg7: memref<128x64xf32, #tpu.memory_space<vmem>>, %arg8: memref<!tpu.dma_semaphore, #tpu.memory_space<semaphore_mem>>, %arg9: memref<!tpu.dma_semaphore, #tpu.memory_space<semaphore_mem>>, %arg10: memref<!tpu.dma_semaphore, #tpu.memory_space<semaphore_mem>>) attributes {dimension_semantics = [#tpu.dimension_semantics<core_parallel>, #tpu.dimension_semantics<subcore_parallel>], iteration_bounds = array<i64: 2, 16>, scalar_prefetch = 0 : i64, scratch_operands = 6 : i64, tpu.core_type = #tpu.core_type<sc_vector_subcore>, window_params = [{transform_indices = #map}, {transform_indices = #map}, {transform_indices = #map}]} {
    %mul3A = arith.constant 2 : i32
    %mul3A_0 = arith.muli %arg1, %mul3A : i32
    %add3A = arith.addi %mul3A_0, %arg0 : i32
    %mul3A_1 = arith.constant 128 : i32
    %mul3A_2 = arith.muli %add3A, %mul3A_1 : i32
    "tpu.region"() ({
      %run_scoped3A = tpu.sem_alloc : memref<!tpu.dma_semaphore, #tpu.memory_space<semaphore_mem>>
      %dma_start3A_359 = arith.constant 0 : i32
      %dma_start3A_360 = tpu.memref_slice %arg2[%mul3A_2, %dma_start3A_359] : memref<4096x200xi32, #tpu.memory_space<hbm>> -> memref<128x200xi32, #tpu.memory_space<hbm>>
      %dma_start3A_361 = arith.constant 0 : i32
      %dma_start3A_362 = tpu.memref_slice %arg2[%mul3A_2, %dma_start3A_361] : memref<4096x200xi32, #tpu.memory_space<hbm>> -> memref<128x200xi32, #tpu.memory_space<hbm>>
      tpu.enqueue_dma source(%dma_start3A_362 : memref<128x200xi32, #tpu.memory_space<hbm>>) target(%arg5 : memref<128x200xi32, #tpu.memory_space<vmem>>) target_semaphore(%run_scoped3A : memref<!tpu.dma_semaphore, #tpu.memory_space<semaphore_mem>>)
      %dma_wait3A_363 = arith.constant 0 : i32
      %dma_wait3A_364 = tpu.memref_slice %arg2[%mul3A_2, %dma_wait3A_363] : memref<4096x200xi32, #tpu.memory_space<hbm>> -> memref<128x200xi32, #tpu.memory_space<hbm>>
      %dma_wait3A_365 = arith.constant 0 : i32
      %dma_wait3A_366 = tpu.memref_slice %arg2[%mul3A_2, %dma_wait3A_365] : memref<4096x200xi32, #tpu.memory_space<hbm>> -> memref<128x200xi32, #tpu.memory_space<hbm>>
      tpu.wait_dma2 semaphore(%run_scoped3A : memref<!tpu.dma_semaphore, #tpu.memory_space<semaphore_mem>>) src(%dma_wait3A_366 : memref<128x200xi32, #tpu.memory_space<hbm>>) dst(%arg5 : memref<128x200xi32, #tpu.memory_space<vmem>>)
      tpu.yield
    }) : () -> ()
    %dma_start3A = arith.constant 0 : i32
    %dma_start3A_3 = arith.constant 0 : i32
    %dma_start3A_4 = arith.constant 0 : i32
    %dma_start3A_5 = arith.constant 0 : i32
    %dma_start3A_6 = tpu.memref_slice %arg6[%dma_start3A_3, %dma_start3A_4, %dma_start3A_5] : memref<3x200x128xf32, #tpu.memory_space<vmem>> -> memref<1x128x128xf32, #tpu.memory_space<vmem>>
    %dma_start3A_7 = tpu.memref_squeeze %dma_start3A_6 : memref<1x128x128xf32, #tpu.memory_space<vmem>> -> memref<128x128xf32, #tpu.memory_space<vmem>>
    %dma_start3A_8 = arith.constant 0 : i32
    %dma_start3A_9 = tpu.memref_slice %arg5[%dma_start3A, %dma_start3A_8] : memref<128x200xi32, #tpu.memory_space<vmem>> -> memref<1x128xi32, #tpu.memory_space<vmem>>
    %dma_start3A_10 = tpu.memref_squeeze %dma_start3A_9 : memref<1x128xi32, #tpu.memory_space<vmem>> -> memref<128xi32, #tpu.memory_space<vmem>>
    %dma_start3A_11 = arith.constant 0 : i32
    %dma_start3A_12 = arith.constant 0 : i32
    %dma_start3A_13 = tpu.memref_slice %arg3[%dma_start3A_11, %dma_start3A_12] : memref<1000000x128xf32, #tpu.memory_space<hbm>> -> memref<1000000x128xf32, #tpu.memory_space<hbm>>
    tpu.enqueue_indirect_dma source(%dma_start3A_13 : memref<1000000x128xf32, #tpu.memory_space<hbm>>) target(%dma_start3A_7 : memref<128x128xf32, #tpu.memory_space<vmem>>) offsets(%dma_start3A_10 : memref<128xi32, #tpu.memory_space<vmem>>) semaphore(%arg8 : memref<!tpu.dma_semaphore, #tpu.memory_space<semaphore_mem>>)
    %dma_start3A_14 = arith.constant 0 : i32
    %dma_start3A_15 = arith.constant 0 : i32
    %dma_start3A_16 = arith.constant 128 : i32
    %dma_start3A_17 = arith.constant 0 : i32
    %dma_start3A_18 = tpu.memref_slice %arg6[%dma_start3A_15, %dma_start3A_16, %dma_start3A_17] : memref<3x200x128xf32, #tpu.memory_space<vmem>> -> memref<1x72x128xf32, #tpu.memory_space<vmem>>
    %dma_start3A_19 = tpu.memref_squeeze %dma_start3A_18 : memref<1x72x128xf32, #tpu.memory_space<vmem>> -> memref<72x128xf32, #tpu.memory_space<vmem>>
    %dma_start3A_20 = arith.constant 128 : i32
    %dma_start3A_21 = tpu.memref_slice %arg5[%dma_start3A_14, %dma_start3A_20] : memref<128x200xi32, #tpu.memory_space<vmem>> -> memref<1x72xi32, #tpu.memory_space<vmem>>
    %dma_start3A_22 = tpu.memref_squeeze %dma_start3A_21 : memref<1x72xi32, #tpu.memory_space<vmem>> -> memref<72xi32, #tpu.memory_space<vmem>>
    %dma_start3A_23 = arith.constant 0 : i32
    %dma_start3A_24 = arith.constant 0 : i32
    %dma_start3A_25 = tpu.memref_slice %arg3[%dma_start3A_23, %dma_start3A_24] : memref<1000000x128xf32, #tpu.memory_space<hbm>> -> memref<1000000x128xf32, #tpu.memory_space<hbm>>
    tpu.enqueue_indirect_dma source(%dma_start3A_25 : memref<1000000x128xf32, #tpu.memory_space<hbm>>) target(%dma_start3A_19 : memref<72x128xf32, #tpu.memory_space<vmem>>) offsets(%dma_start3A_22 : memref<72xi32, #tpu.memory_space<vmem>>) semaphore(%arg8 : memref<!tpu.dma_semaphore, #tpu.memory_space<semaphore_mem>>)
    %dma_start3A_26 = arith.constant 1 : i32
    %dma_start3A_27 = arith.constant 1 : i32
    %dma_start3A_28 = arith.constant 0 : i32
    %dma_start3A_29 = arith.constant 0 : i32
    %dma_start3A_30 = tpu.memref_slice %arg6[%dma_start3A_27, %dma_start3A_28, %dma_start3A_29] : memref<3x200x128xf32, #tpu.memory_space<vmem>> -> memref<1x128x128xf32, #tpu.memory_space<vmem>>
    %dma_start3A_31 = tpu.memref_squeeze %dma_start3A_30 : memref<1x128x128xf32, #tpu.memory_space<vmem>> -> memref<128x128xf32, #tpu.memory_space<vmem>>
    %dma_start3A_32 = arith.constant 0 : i32
    %dma_start3A_33 = tpu.memref_slice %arg5[%dma_start3A_26, %dma_start3A_32] : memref<128x200xi32, #tpu.memory_space<vmem>> -> memref<1x128xi32, #tpu.memory_space<vmem>>
    %dma_start3A_34 = tpu.memref_squeeze %dma_start3A_33 : memref<1x128xi32, #tpu.memory_space<vmem>> -> memref<128xi32, #tpu.memory_space<vmem>>
    %dma_start3A_35 = arith.constant 0 : i32
    %dma_start3A_36 = arith.constant 0 : i32
    %dma_start3A_37 = tpu.memref_slice %arg3[%dma_start3A_35, %dma_start3A_36] : memref<1000000x128xf32, #tpu.memory_space<hbm>> -> memref<1000000x128xf32, #tpu.memory_space<hbm>>
    tpu.enqueue_indirect_dma source(%dma_start3A_37 : memref<1000000x128xf32, #tpu.memory_space<hbm>>) target(%dma_start3A_31 : memref<128x128xf32, #tpu.memory_space<vmem>>) offsets(%dma_start3A_34 : memref<128xi32, #tpu.memory_space<vmem>>) semaphore(%arg9 : memref<!tpu.dma_semaphore, #tpu.memory_space<semaphore_mem>>)
    %dma_start3A_38 = arith.constant 1 : i32
    %dma_start3A_39 = arith.constant 1 : i32
    %dma_start3A_40 = arith.constant 128 : i32
    %dma_start3A_41 = arith.constant 0 : i32
    %dma_start3A_42 = tpu.memref_slice %arg6[%dma_start3A_39, %dma_start3A_40, %dma_start3A_41] : memref<3x200x128xf32, #tpu.memory_space<vmem>> -> memref<1x72x128xf32, #tpu.memory_space<vmem>>
    %dma_start3A_43 = tpu.memref_squeeze %dma_start3A_42 : memref<1x72x128xf32, #tpu.memory_space<vmem>> -> memref<72x128xf32, #tpu.memory_space<vmem>>
    %dma_start3A_44 = arith.constant 128 : i32
    %dma_start3A_45 = tpu.memref_slice %arg5[%dma_start3A_38, %dma_start3A_44] : memref<128x200xi32, #tpu.memory_space<vmem>> -> memref<1x72xi32, #tpu.memory_space<vmem>>
    %dma_start3A_46 = tpu.memref_squeeze %dma_start3A_45 : memref<1x72xi32, #tpu.memory_space<vmem>> -> memref<72xi32, #tpu.memory_space<vmem>>
    %dma_start3A_47 = arith.constant 0 : i32
    %dma_start3A_48 = arith.constant 0 : i32
    %dma_start3A_49 = tpu.memref_slice %arg3[%dma_start3A_47, %dma_start3A_48] : memref<1000000x128xf32, #tpu.memory_space<hbm>> -> memref<1000000x128xf32, #tpu.memory_space<hbm>>
    tpu.enqueue_indirect_dma source(%dma_start3A_49 : memref<1000000x128xf32, #tpu.memory_space<hbm>>) target(%dma_start3A_43 : memref<72x128xf32, #tpu.memory_space<vmem>>) offsets(%dma_start3A_46 : memref<72xi32, #tpu.memory_space<vmem>>) semaphore(%arg9 : memref<!tpu.dma_semaphore, #tpu.memory_space<semaphore_mem>>)
    %dma_start3A_50 = arith.constant 2 : i32
    %dma_start3A_51 = arith.constant 2 : i32
    %dma_start3A_52 = arith.constant 0 : i32
    %dma_start3A_53 = arith.constant 0 : i32
    %dma_start3A_54 = tpu.memref_slice %arg6[%dma_start3A_51, %dma_start3A_52, %dma_start3A_53] : memref<3x200x128xf32, #tpu.memory_space<vmem>> -> memref<1x128x128xf32, #tpu.memory_space<vmem>>
    %dma_start3A_55 = tpu.memref_squeeze %dma_start3A_54 : memref<1x128x128xf32, #tpu.memory_space<vmem>> -> memref<128x128xf32, #tpu.memory_space<vmem>>
    %dma_start3A_56 = arith.constant 0 : i32
    %dma_start3A_57 = tpu.memref_slice %arg5[%dma_start3A_50, %dma_start3A_56] : memref<128x200xi32, #tpu.memory_space<vmem>> -> memref<1x128xi32, #tpu.memory_space<vmem>>
    %dma_start3A_58 = tpu.memref_squeeze %dma_start3A_57 : memref<1x128xi32, #tpu.memory_space<vmem>> -> memref<128xi32, #tpu.memory_space<vmem>>
    %dma_start3A_59 = arith.constant 0 : i32
    %dma_start3A_60 = arith.constant 0 : i32
    %dma_start3A_61 = tpu.memref_slice %arg3[%dma_start3A_59, %dma_start3A_60] : memref<1000000x128xf32, #tpu.memory_space<hbm>> -> memref<1000000x128xf32, #tpu.memory_space<hbm>>
    tpu.enqueue_indirect_dma source(%dma_start3A_61 : memref<1000000x128xf32, #tpu.memory_space<hbm>>) target(%dma_start3A_55 : memref<128x128xf32, #tpu.memory_space<vmem>>) offsets(%dma_start3A_58 : memref<128xi32, #tpu.memory_space<vmem>>) semaphore(%arg10 : memref<!tpu.dma_semaphore, #tpu.memory_space<semaphore_mem>>)
    %dma_start3A_62 = arith.constant 2 : i32
    %dma_start3A_63 = arith.constant 2 : i32
    %dma_start3A_64 = arith.constant 128 : i32
    %dma_start3A_65 = arith.constant 0 : i32
    %dma_start3A_66 = tpu.memref_slice %arg6[%dma_start3A_63, %dma_start3A_64, %dma_start3A_65] : memref<3x200x128xf32, #tpu.memory_space<vmem>> -> memref<1x72x128xf32, #tpu.memory_space<vmem>>
    %dma_start3A_67 = tpu.memref_squeeze %dma_start3A_66 : memref<1x72x128xf32, #tpu.memory_space<vmem>> -> memref<72x128xf32, #tpu.memory_space<vmem>>
    %dma_start3A_68 = arith.constant 128 : i32
    %dma_start3A_69 = tpu.memref_slice %arg5[%dma_start3A_62, %dma_start3A_68] : memref<128x200xi32, #tpu.memory_space<vmem>> -> memref<1x72xi32, #tpu.memory_space<vmem>>
    %dma_start3A_70 = tpu.memref_squeeze %dma_start3A_69 : memref<1x72xi32, #tpu.memory_space<vmem>> -> memref<72xi32, #tpu.memory_space<vmem>>
    %dma_start3A_71 = arith.constant 0 : i32
    %dma_start3A_72 = arith.constant 0 : i32
    %dma_start3A_73 = tpu.memref_slice %arg3[%dma_start3A_71, %dma_start3A_72] : memref<1000000x128xf32, #tpu.memory_space<hbm>> -> memref<1000000x128xf32, #tpu.memory_space<hbm>>
    tpu.enqueue_indirect_dma source(%dma_start3A_73 : memref<1000000x128xf32, #tpu.memory_space<hbm>>) target(%dma_start3A_67 : memref<72x128xf32, #tpu.memory_space<vmem>>) offsets(%dma_start3A_70 : memref<72xi32, #tpu.memory_space<vmem>>) semaphore(%arg10 : memref<!tpu.dma_semaphore, #tpu.memory_space<semaphore_mem>>)
    %scan3A = arith.constant 0 : i32
    %scan3A_74 = arith.constant 0 : i32
    %scan3A_75 = arith.constant 41 : i32
    %scan3A_76 = arith.addi %scan3A_74, %scan3A_75 : i32
    %scan3A_77 = arith.constant 1 : i32
    scf.for %scan3A_359 = %scan3A_74 to %scan3A_76 step %scan3A_77  : i32 {
      %mul3A_360 = arith.constant 3 : i32
      %mul3A_361 = arith.muli %scan3A_359, %mul3A_360 : i32
      %dma_wait3A_362 = arith.constant 0 : i32
      %dma_wait3A_363 = arith.constant 0 : i32
      %dma_wait3A_364 = arith.constant 0 : i32
      %dma_wait3A_365 = tpu.memref_slice %arg6[%dma_wait3A_362, %dma_wait3A_363, %dma_wait3A_364] : memref<3x200x128xf32, #tpu.memory_space<vmem>> -> memref<1x200x128xf32, #tpu.memory_space<vmem>>
      %dma_wait3A_366 = tpu.memref_squeeze %dma_wait3A_365 : memref<1x200x128xf32, #tpu.memory_space<vmem>> -> memref<200x128xf32, #tpu.memory_space<vmem>>
      %dma_wait3A_367 = arith.constant 0 : i32
      %dma_wait3A_368 = arith.constant 0 : i32
      %dma_wait3A_369 = tpu.memref_slice %arg3[%dma_wait3A_367, %dma_wait3A_368] : memref<1000000x128xf32, #tpu.memory_space<hbm>> -> memref<200x128xf32, #tpu.memory_space<hbm>>
      %dma_wait3A_370 = arith.constant 0 : i32
      %dma_wait3A_371 = arith.constant 0 : i32
      %dma_wait3A_372 = tpu.memref_slice %arg6[%dma_wait3A_362, %dma_wait3A_370, %dma_wait3A_371] : memref<3x200x128xf32, #tpu.memory_space<vmem>> -> memref<1x200x128xf32, #tpu.memory_space<vmem>>
      %dma_wait3A_373 = tpu.memref_squeeze %dma_wait3A_372 : memref<1x200x128xf32, #tpu.memory_space<vmem>> -> memref<200x128xf32, #tpu.memory_space<vmem>>
      %dma_wait3A_374 = arith.constant 0 : i32
      %dma_wait3A_375 = arith.constant 0 : i32
      %dma_wait3A_376 = tpu.memref_slice %arg3[%dma_wait3A_374, %dma_wait3A_375] : memref<1000000x128xf32, #tpu.memory_space<hbm>> -> memref<200x128xf32, #tpu.memory_space<hbm>>
      tpu.wait_dma2 semaphore(%arg8 : memref<!tpu.dma_semaphore, #tpu.memory_space<semaphore_mem>>) src(%dma_wait3A_376 : memref<200x128xf32, #tpu.memory_space<hbm>>) dst(%dma_wait3A_373 : memref<200x128xf32, #tpu.memory_space<vmem>>)
      %add3A_377 = arith.constant 0 : i32
      %add3A_378 = arith.addi %mul3A_361, %add3A_377 : i32
      %broadcast_in_dim3A_379 = arith.constant 0.000000e+00 : f32
      %broadcast_in_dim3A_380 = vector.broadcast %broadcast_in_dim3A_379 : f32 to vector<16xf32>
      %scan3A_381 = arith.constant 0 : i32
      %scan3A_382 = arith.constant 200 : i32
      %scan3A_383 = arith.addi %scan3A_381, %scan3A_382 : i32
      %scan3A_384 = arith.constant 1 : i32
      %scan3A_385:4 = scf.for %scan3A_575 = %scan3A_381 to %scan3A_383 step %scan3A_384 iter_args(%scan3A_576 = %broadcast_in_dim3A_380, %scan3A_577 = %broadcast_in_dim3A_380, %scan3A_578 = %broadcast_in_dim3A_380, %scan3A_579 = %broadcast_in_dim3A_380) -> (vector<16xf32>, vector<16xf32>, vector<16xf32>, vector<16xf32>)  : i32 {
        %get3A = arith.constant 0 : i32
        %get3A_580 = arith.index_cast %get3A : i32 to index
        %get3A_581 = arith.index_cast %scan3A_575 : i32 to index
        %get3A_582 = arith.constant 0 : index
        %get3A_583 = tpu.vector_load %arg6[%get3A_580, %get3A_581, %get3A_582] {strides = array<i32>} : memref<3x200x128xf32, #tpu.memory_space<vmem>>, vector<1x1x16xf32>,
        %get3A_584 = vector.shape_cast %get3A_583 : vector<1x1x16xf32> to vector<16xf32>
        %add3A_585 = arith.addf %scan3A_576, %get3A_584 : vector<16xf32>
        %get3A_586 = arith.constant 0 : i32
        %get3A_587 = arith.index_cast %get3A_586 : i32 to index
        %get3A_588 = arith.index_cast %scan3A_575 : i32 to index
        %get3A_589 = arith.constant 16 : index
        %get3A_590 = tpu.vector_load %arg6[%get3A_587, %get3A_588, %get3A_589] {strides = array<i32>} : memref<3x200x128xf32, #tpu.memory_space<vmem>>, vector<1x1x16xf32>,
        %get3A_591 = vector.shape_cast %get3A_590 : vector<1x1x16xf32> to vector<16xf32>
        %add3A_592 = arith.addf %scan3A_577, %get3A_591 : vector<16xf32>
        %get3A_593 = arith.constant 0 : i32
        %get3A_594 = arith.index_cast %get3A_593 : i32 to index
        %get3A_595 = arith.index_cast %scan3A_575 : i32 to index
        %get3A_596 = arith.constant 32 : index
        %get3A_597 = tpu.vector_load %arg6[%get3A_594, %get3A_595, %get3A_596] {strides = array<i32>} : memref<3x200x128xf32, #tpu.memory_space<vmem>>, vector<1x1x16xf32>,
        %get3A_598 = vector.shape_cast %get3A_597 : vector<1x1x16xf32> to vector<16xf32>
        %add3A_599 = arith.addf %scan3A_578, %get3A_598 : vector<16xf32>
        %get3A_600 = arith.constant 0 : i32
        %get3A_601 = arith.index_cast %get3A_600 : i32 to index
        %get3A_602 = arith.index_cast %scan3A_575 : i32 to index
        %get3A_603 = arith.constant 48 : index
        %get3A_604 = tpu.vector_load %arg6[%get3A_601, %get3A_602, %get3A_603] {strides = array<i32>} : memref<3x200x128xf32, #tpu.memory_space<vmem>>, vector<1x1x16xf32>,
        %get3A_605 = vector.shape_cast %get3A_604 : vector<1x1x16xf32> to vector<16xf32>
        %add3A_606 = arith.addf %scan3A_579, %get3A_605 : vector<16xf32>
        scf.yield %add3A_585, %add3A_592, %add3A_599, %add3A_606 : vector<16xf32>, vector<16xf32>, vector<16xf32>, vector<16xf32>
      }
      %scan3A_386 = arith.constant 200 : i32
      %swap3A_387 = arith.index_cast %add3A_378 : i32 to index
      %swap3A_388 = arith.constant 0 : index
      %swap3A_389 = tpu.vector_load %arg7[%swap3A_387, %swap3A_388] {strides = array<i32>} : memref<128x64xf32, #tpu.memory_space<vmem>>, vector<1x16xf32>,
      %swap3A_390 = vector.shape_cast %swap3A_389 : vector<1x16xf32> to vector<16xf32>
      %swap3A_391 = vector.shape_cast %scan3A_385#0 : vector<16xf32> to vector<1x16xf32>
      tpu.vector_store %arg7[%swap3A_387, %swap3A_388], %swap3A_391 {strides = array<i32>} : memref<128x64xf32, #tpu.memory_space<vmem>>, vector<1x16xf32>,
      %swap3A_392 = arith.index_cast %add3A_378 : i32 to index
      %swap3A_393 = arith.constant 16 : index
      %swap3A_394 = tpu.vector_load %arg7[%swap3A_392, %swap3A_393] {strides = array<i32>} : memref<128x64xf32, #tpu.memory_space<vmem>>, vector<1x16xf32>,
      %swap3A_395 = vector.shape_cast %swap3A_394 : vector<1x16xf32> to vector<16xf32>
      %swap3A_396 = vector.shape_cast %scan3A_385#1 : vector<16xf32> to vector<1x16xf32>
      tpu.vector_store %arg7[%swap3A_392, %swap3A_393], %swap3A_396 {strides = array<i32>} : memref<128x64xf32, #tpu.memory_space<vmem>>, vector<1x16xf32>,
      %swap3A_397 = arith.index_cast %add3A_378 : i32 to index
      %swap3A_398 = arith.constant 32 : index
      %swap3A_399 = tpu.vector_load %arg7[%swap3A_397, %swap3A_398] {strides = array<i32>} : memref<128x64xf32, #tpu.memory_space<vmem>>, vector<1x16xf32>,
      %swap3A_400 = vector.shape_cast %swap3A_399 : vector<1x16xf32> to vector<16xf32>
      %swap3A_401 = vector.shape_cast %scan3A_385#2 : vector<16xf32> to vector<1x16xf32>
      tpu.vector_store %arg7[%swap3A_397, %swap3A_398], %swap3A_401 {strides = array<i32>} : memref<128x64xf32, #tpu.memory_space<vmem>>, vector<1x16xf32>,
      %swap3A_402 = arith.index_cast %add3A_378 : i32 to index
      %swap3A_403 = arith.constant 48 : index
      %swap3A_404 = tpu.vector_load %arg7[%swap3A_402, %swap3A_403] {strides = array<i32>} : memref<128x64xf32, #tpu.memory_space<vmem>>, vector<1x16xf32>,
      %swap3A_405 = vector.shape_cast %swap3A_404 : vector<1x16xf32> to vector<16xf32>
      %swap3A_406 = vector.shape_cast %scan3A_385#3 : vector<16xf32> to vector<1x16xf32>
      tpu.vector_store %arg7[%swap3A_402, %swap3A_403], %swap3A_406 {strides = array<i32>} : memref<128x64xf32, #tpu.memory_space<vmem>>, vector<1x16xf32>,
      %add3A_407 = arith.constant 0 : i32
      %add3A_408 = arith.addi %mul3A_361, %add3A_407 : i32
      %add3A_409 = arith.constant 3 : i32
      %add3A_410 = arith.addi %add3A_408, %add3A_409 : i32
      %dma_start3A_411 = arith.constant 0 : i32
      %dma_start3A_412 = arith.constant 0 : i32
      %dma_start3A_413 = arith.constant 0 : i32
      %dma_start3A_414 = tpu.memref_slice %arg6[%dma_start3A_411, %dma_start3A_412, %dma_start3A_413] : memref<3x200x128xf32, #tpu.memory_space<vmem>> -> memref<1x128x128xf32, #tpu.memory_space<vmem>>
      %dma_start3A_415 = tpu.memref_squeeze %dma_start3A_414 : memref<1x128x128xf32, #tpu.memory_space<vmem>> -> memref<128x128xf32, #tpu.memory_space<vmem>>
      %dma_start3A_416 = arith.constant 0 : i32
      %dma_start3A_417 = tpu.memref_slice %arg5[%add3A_410, %dma_start3A_416] : memref<128x200xi32, #tpu.memory_space<vmem>> -> memref<1x128xi32, #tpu.memory_space<vmem>>
      %dma_start3A_418 = tpu.memref_squeeze %dma_start3A_417 : memref<1x128xi32, #tpu.memory_space<vmem>> -> memref<128xi32, #tpu.memory_space<vmem>>
      %dma_start3A_419 = arith.constant 0 : i32
      %dma_start3A_420 = arith.constant 0 : i32
      %dma_start3A_421 = tpu.memref_slice %arg3[%dma_start3A_419, %dma_start3A_420] : memref<1000000x128xf32, #tpu.memory_space<hbm>> -> memref<1000000x128xf32, #tpu.memory_space<hbm>>
      tpu.enqueue_indirect_dma source(%dma_start3A_421 : memref<1000000x128xf32, #tpu.memory_space<hbm>>) target(%dma_start3A_415 : memref<128x128xf32, #tpu.memory_space<vmem>>) offsets(%dma_start3A_418 : memref<128xi32, #tpu.memory_space<vmem>>) semaphore(%arg8 : memref<!tpu.dma_semaphore, #tpu.memory_space<semaphore_mem>>)
      %dma_start3A_422 = arith.constant 0 : i32
      %dma_start3A_423 = arith.constant 128 : i32
      %dma_start3A_424 = arith.constant 0 : i32
      %dma_start3A_425 = tpu.memref_slice %arg6[%dma_start3A_422, %dma_start3A_423, %dma_start3A_424] : memref<3x200x128xf32, #tpu.memory_space<vmem>> -> memref<1x72x128xf32, #tpu.memory_space<vmem>>
      %dma_start3A_426 = tpu.memref_squeeze %dma_start3A_425 : memref<1x72x128xf32, #tpu.memory_space<vmem>> -> memref<72x128xf32, #tpu.memory_space<vmem>>
      %dma_start3A_427 = arith.constant 128 : i32
      %dma_start3A_428 = tpu.memref_slice %arg5[%add3A_410, %dma_start3A_427] : memref<128x200xi32, #tpu.memory_space<vmem>> -> memref<1x72xi32, #tpu.memory_space<vmem>>
      %dma_start3A_429 = tpu.memref_squeeze %dma_start3A_428 : memref<1x72xi32, #tpu.memory_space<vmem>> -> memref<72xi32, #tpu.memory_space<vmem>>
      %dma_start3A_430 = arith.constant 0 : i32
      %dma_start3A_431 = arith.constant 0 : i32
      %dma_start3A_432 = tpu.memref_slice %arg3[%dma_start3A_430, %dma_start3A_431] : memref<1000000x128xf32, #tpu.memory_space<hbm>> -> memref<1000000x128xf32, #tpu.memory_space<hbm>>
      tpu.enqueue_indirect_dma source(%dma_start3A_432 : memref<1000000x128xf32, #tpu.memory_space<hbm>>) target(%dma_start3A_426 : memref<72x128xf32, #tpu.memory_space<vmem>>) offsets(%dma_start3A_429 : memref<72xi32, #tpu.memory_space<vmem>>) semaphore(%arg8 : memref<!tpu.dma_semaphore, #tpu.memory_space<semaphore_mem>>)
      %dma_wait3A_433 = arith.constant 1 : i32
      %dma_wait3A_434 = arith.constant 0 : i32
      %dma_wait3A_435 = arith.constant 0 : i32
      %dma_wait3A_436 = tpu.memref_slice %arg6[%dma_wait3A_433, %dma_wait3A_434, %dma_wait3A_435] : memref<3x200x128xf32, #tpu.memory_space<vmem>> -> memref<1x200x128xf32, #tpu.memory_space<vmem>>
      %dma_wait3A_437 = tpu.memref_squeeze %dma_wait3A_436 : memref<1x200x128xf32, #tpu.memory_space<vmem>> -> memref<200x128xf32, #tpu.memory_space<vmem>>
      %dma_wait3A_438 = arith.constant 0 : i32
      %dma_wait3A_439 = arith.constant 0 : i32
      %dma_wait3A_440 = tpu.memref_slice %arg3[%dma_wait3A_438, %dma_wait3A_439] : memref<1000000x128xf32, #tpu.memory_space<hbm>> -> memref<200x128xf32, #tpu.memory_space<hbm>>
      %dma_wait3A_441 = arith.constant 0 : i32
      %dma_wait3A_442 = arith.constant 0 : i32
      %dma_wait3A_443 = tpu.memref_slice %arg6[%dma_wait3A_433, %dma_wait3A_441, %dma_wait3A_442] : memref<3x200x128xf32, #tpu.memory_space<vmem>> -> memref<1x200x128xf32, #tpu.memory_space<vmem>>
      %dma_wait3A_444 = tpu.memref_squeeze %dma_wait3A_443 : memref<1x200x128xf32, #tpu.memory_space<vmem>> -> memref<200x128xf32, #tpu.memory_space<vmem>>
      %dma_wait3A_445 = arith.constant 0 : i32
      %dma_wait3A_446 = arith.constant 0 : i32
      %dma_wait3A_447 = tpu.memref_slice %arg3[%dma_wait3A_445, %dma_wait3A_446] : memref<1000000x128xf32, #tpu.memory_space<hbm>> -> memref<200x128xf32, #tpu.memory_space<hbm>>
      tpu.wait_dma2 semaphore(%arg9 : memref<!tpu.dma_semaphore, #tpu.memory_space<semaphore_mem>>) src(%dma_wait3A_447 : memref<200x128xf32, #tpu.memory_space<hbm>>) dst(%dma_wait3A_444 : memref<200x128xf32, #tpu.memory_space<vmem>>)
      %add3A_448 = arith.constant 1 : i32
      %add3A_449 = arith.addi %mul3A_361, %add3A_448 : i32
      %broadcast_in_dim3A_450 = arith.constant 0.000000e+00 : f32
      %broadcast_in_dim3A_451 = vector.broadcast %broadcast_in_dim3A_450 : f32 to vector<16xf32>
      %scan3A_452 = arith.constant 0 : i32
      %scan3A_453 = arith.constant 200 : i32
      %scan3A_454 = arith.addi %scan3A_452, %scan3A_453 : i32
      %scan3A_455 = arith.constant 1 : i32
      %scan3A_456:4 = scf.for %scan3A_575 = %scan3A_452 to %scan3A_454 step %scan3A_455 iter_args(%scan3A_576 = %broadcast_in_dim3A_451, %scan3A_577 = %broadcast_in_dim3A_451, %scan3A_578 = %broadcast_in_dim3A_451, %scan3A_579 = %broadcast_in_dim3A_451) -> (vector<16xf32>, vector<16xf32>, vector<16xf32>, vector<16xf32>)  : i32 {
        %get3A = arith.constant 1 : i32
        %get3A_580 = arith.index_cast %get3A : i32 to index
        %get3A_581 = arith.index_cast %scan3A_575 : i32 to index
        %get3A_582 = arith.constant 0 : index
        %get3A_583 = tpu.vector_load %arg6[%get3A_580, %get3A_581, %get3A_582] {strides = array<i32>} : memref<3x200x128xf32, #tpu.memory_space<vmem>>, vector<1x1x16xf32>,
        %get3A_584 = vector.shape_cast %get3A_583 : vector<1x1x16xf32> to vector<16xf32>
        %add3A_585 = arith.addf %scan3A_576, %get3A_584 : vector<16xf32>
        %get3A_586 = arith.constant 1 : i32
        %get3A_587 = arith.index_cast %get3A_586 : i32 to index
        %get3A_588 = arith.index_cast %scan3A_575 : i32 to index
        %get3A_589 = arith.constant 16 : index
        %get3A_590 = tpu.vector_load %arg6[%get3A_587, %get3A_588, %get3A_589] {strides = array<i32>} : memref<3x200x128xf32, #tpu.memory_space<vmem>>, vector<1x1x16xf32>,
        %get3A_591 = vector.shape_cast %get3A_590 : vector<1x1x16xf32> to vector<16xf32>
        %add3A_592 = arith.addf %scan3A_577, %get3A_591 : vector<16xf32>
        %get3A_593 = arith.constant 1 : i32
        %get3A_594 = arith.index_cast %get3A_593 : i32 to index
        %get3A_595 = arith.index_cast %scan3A_575 : i32 to index
        %get3A_596 = arith.constant 32 : index
        %get3A_597 = tpu.vector_load %arg6[%get3A_594, %get3A_595, %get3A_596] {strides = array<i32>} : memref<3x200x128xf32, #tpu.memory_space<vmem>>, vector<1x1x16xf32>,
        %get3A_598 = vector.shape_cast %get3A_597 : vector<1x1x16xf32> to vector<16xf32>
        %add3A_599 = arith.addf %scan3A_578, %get3A_598 : vector<16xf32>
        %get3A_600 = arith.constant 1 : i32
        %get3A_601 = arith.index_cast %get3A_600 : i32 to index
        %get3A_602 = arith.index_cast %scan3A_575 : i32 to index
        %get3A_603 = arith.constant 48 : index
        %get3A_604 = tpu.vector_load %arg6[%get3A_601, %get3A_602, %get3A_603] {strides = array<i32>} : memref<3x200x128xf32, #tpu.memory_space<vmem>>, vector<1x1x16xf32>,
        %get3A_605 = vector.shape_cast %get3A_604 : vector<1x1x16xf32> to vector<16xf32>
        %add3A_606 = arith.addf %scan3A_579, %get3A_605 : vector<16xf32>
        scf.yield %add3A_585, %add3A_592, %add3A_599, %add3A_606 : vector<16xf32>, vector<16xf32>, vector<16xf32>, vector<16xf32>
      }
      %scan3A_457 = arith.constant 200 : i32
      %swap3A_458 = arith.index_cast %add3A_449 : i32 to index
      %swap3A_459 = arith.constant 0 : index
      %swap3A_460 = tpu.vector_load %arg7[%swap3A_458, %swap3A_459] {strides = array<i32>} : memref<128x64xf32, #tpu.memory_space<vmem>>, vector<1x16xf32>,
      %swap3A_461 = vector.shape_cast %swap3A_460 : vector<1x16xf32> to vector<16xf32>
      %swap3A_462 = vector.shape_cast %scan3A_456#0 : vector<16xf32> to vector<1x16xf32>
      tpu.vector_store %arg7[%swap3A_458, %swap3A_459], %swap3A_462 {strides = array<i32>} : memref<128x64xf32, #tpu.memory_space<vmem>>, vector<1x16xf32>,
      %swap3A_463 = arith.index_cast %add3A_449 : i32 to index
      %swap3A_464 = arith.constant 16 : index
      %swap3A_465 = tpu.vector_load %arg7[%swap3A_463, %swap3A_464] {strides = array<i32>} : memref<128x64xf32, #tpu.memory_space<vmem>>, vector<1x16xf32>,
      %swap3A_466 = vector.shape_cast %swap3A_465 : vector<1x16xf32> to vector<16xf32>
      %swap3A_467 = vector.shape_cast %scan3A_456#1 : vector<16xf32> to vector<1x16xf32>
      tpu.vector_store %arg7[%swap3A_463, %swap3A_464], %swap3A_467 {strides = array<i32>} : memref<128x64xf32, #tpu.memory_space<vmem>>, vector<1x16xf32>,
      %swap3A_468 = arith.index_cast %add3A_449 : i32 to index
      %swap3A_469 = arith.constant 32 : index
      %swap3A_470 = tpu.vector_load %arg7[%swap3A_468, %swap3A_469] {strides = array<i32>} : memref<128x64xf32, #tpu.memory_space<vmem>>, vector<1x16xf32>,
      %swap3A_471 = vector.shape_cast %swap3A_470 : vector<1x16xf32> to vector<16xf32>
      %swap3A_472 = vector.shape_cast %scan3A_456#2 : vector<16xf32> to vector<1x16xf32>
      tpu.vector_store %arg7[%swap3A_468, %swap3A_469], %swap3A_472 {strides = array<i32>} : memref<128x64xf32, #tpu.memory_space<vmem>>, vector<1x16xf32>,
      %swap3A_473 = arith.index_cast %add3A_449 : i32 to index
      %swap3A_474 = arith.constant 48 : index
      %swap3A_475 = tpu.vector_load %arg7[%swap3A_473, %swap3A_474] {strides = array<i32>} : memref<128x64xf32, #tpu.memory_space<vmem>>, vector<1x16xf32>,
      %swap3A_476 = vector.shape_cast %swap3A_475 : vector<1x16xf32> to vector<16xf32>
      %swap3A_477 = vector.shape_cast %scan3A_456#3 : vector<16xf32> to vector<1x16xf32>
      tpu.vector_store %arg7[%swap3A_473, %swap3A_474], %swap3A_477 {strides = array<i32>} : memref<128x64xf32, #tpu.memory_space<vmem>>, vector<1x16xf32>,
      %add3A_478 = arith.constant 1 : i32
      %add3A_479 = arith.addi %mul3A_361, %add3A_478 : i32
      %add3A_480 = arith.constant 3 : i32
      %add3A_481 = arith.addi %add3A_479, %add3A_480 : i32
      %dma_start3A_482 = arith.constant 1 : i32
      %dma_start3A_483 = arith.constant 0 : i32
      %dma_start3A_484 = arith.constant 0 : i32
      %dma_start3A_485 = tpu.memref_slice %arg6[%dma_start3A_482, %dma_start3A_483, %dma_start3A_484] : memref<3x200x128xf32, #tpu.memory_space<vmem>> -> memref<1x128x128xf32, #tpu.memory_space<vmem>>
      %dma_start3A_486 = tpu.memref_squeeze %dma_start3A_485 : memref<1x128x128xf32, #tpu.memory_space<vmem>> -> memref<128x128xf32, #tpu.memory_space<vmem>>
      %dma_start3A_487 = arith.constant 0 : i32
      %dma_start3A_488 = tpu.memref_slice %arg5[%add3A_481, %dma_start3A_487] : memref<128x200xi32, #tpu.memory_space<vmem>> -> memref<1x128xi32, #tpu.memory_space<vmem>>
      %dma_start3A_489 = tpu.memref_squeeze %dma_start3A_488 : memref<1x128xi32, #tpu.memory_space<vmem>> -> memref<128xi32, #tpu.memory_space<vmem>>
      %dma_start3A_490 = arith.constant 0 : i32
      %dma_start3A_491 = arith.constant 0 : i32
      %dma_start3A_492 = tpu.memref_slice %arg3[%dma_start3A_490, %dma_start3A_491] : memref<1000000x128xf32, #tpu.memory_space<hbm>> -> memref<1000000x128xf32, #tpu.memory_space<hbm>>
      tpu.enqueue_indirect_dma source(%dma_start3A_492 : memref<1000000x128xf32, #tpu.memory_space<hbm>>) target(%dma_start3A_486 : memref<128x128xf32, #tpu.memory_space<vmem>>) offsets(%dma_start3A_489 : memref<128xi32, #tpu.memory_space<vmem>>) semaphore(%arg9 : memref<!tpu.dma_semaphore, #tpu.memory_space<semaphore_mem>>)
      %dma_start3A_493 = arith.constant 1 : i32
      %dma_start3A_494 = arith.constant 128 : i32
      %dma_start3A_495 = arith.constant 0 : i32
      %dma_start3A_496 = tpu.memref_slice %arg6[%dma_start3A_493, %dma_start3A_494, %dma_start3A_495] : memref<3x200x128xf32, #tpu.memory_space<vmem>> -> memref<1x72x128xf32, #tpu.memory_space<vmem>>
      %dma_start3A_497 = tpu.memref_squeeze %dma_start3A_496 : memref<1x72x128xf32, #tpu.memory_space<vmem>> -> memref<72x128xf32, #tpu.memory_space<vmem>>
      %dma_start3A_498 = arith.constant 128 : i32
      %dma_start3A_499 = tpu.memref_slice %arg5[%add3A_481, %dma_start3A_498] : memref<128x200xi32, #tpu.memory_space<vmem>> -> memref<1x72xi32, #tpu.memory_space<vmem>>
      %dma_start3A_500 = tpu.memref_squeeze %dma_start3A_499 : memref<1x72xi32, #tpu.memory_space<vmem>> -> memref<72xi32, #tpu.memory_space<vmem>>
      %dma_start3A_501 = arith.constant 0 : i32
      %dma_start3A_502 = arith.constant 0 : i32
      %dma_start3A_503 = tpu.memref_slice %arg3[%dma_start3A_501, %dma_start3A_502] : memref<1000000x128xf32, #tpu.memory_space<hbm>> -> memref<1000000x128xf32, #tpu.memory_space<hbm>>
      tpu.enqueue_indirect_dma source(%dma_start3A_503 : memref<1000000x128xf32, #tpu.memory_space<hbm>>) target(%dma_start3A_497 : memref<72x128xf32, #tpu.memory_space<vmem>>) offsets(%dma_start3A_500 : memref<72xi32, #tpu.memory_space<vmem>>) semaphore(%arg9 : memref<!tpu.dma_semaphore, #tpu.memory_space<semaphore_mem>>)
      %dma_wait3A_504 = arith.constant 2 : i32
      %dma_wait3A_505 = arith.constant 0 : i32
      %dma_wait3A_506 = arith.constant 0 : i32
      %dma_wait3A_507 = tpu.memref_slice %arg6[%dma_wait3A_504, %dma_wait3A_505, %dma_wait3A_506] : memref<3x200x128xf32, #tpu.memory_space<vmem>> -> memref<1x200x128xf32, #tpu.memory_space<vmem>>
      %dma_wait3A_508 = tpu.memref_squeeze %dma_wait3A_507 : memref<1x200x128xf32, #tpu.memory_space<vmem>> -> memref<200x128xf32, #tpu.memory_space<vmem>>
      %dma_wait3A_509 = arith.constant 0 : i32
      %dma_wait3A_510 = arith.constant 0 : i32
      %dma_wait3A_511 = tpu.memref_slice %arg3[%dma_wait3A_509, %dma_wait3A_510] : memref<1000000x128xf32, #tpu.memory_space<hbm>> -> memref<200x128xf32, #tpu.memory_space<hbm>>
      %dma_wait3A_512 = arith.constant 0 : i32
      %dma_wait3A_513 = arith.constant 0 : i32
      %dma_wait3A_514 = tpu.memref_slice %arg6[%dma_wait3A_504, %dma_wait3A_512, %dma_wait3A_513] : memref<3x200x128xf32, #tpu.memory_space<vmem>> -> memref<1x200x128xf32, #tpu.memory_space<vmem>>
      %dma_wait3A_515 = tpu.memref_squeeze %dma_wait3A_514 : memref<1x200x128xf32, #tpu.memory_space<vmem>> -> memref<200x128xf32, #tpu.memory_space<vmem>>
      %dma_wait3A_516 = arith.constant 0 : i32
      %dma_wait3A_517 = arith.constant 0 : i32
      %dma_wait3A_518 = tpu.memref_slice %arg3[%dma_wait3A_516, %dma_wait3A_517] : memref<1000000x128xf32, #tpu.memory_space<hbm>> -> memref<200x128xf32, #tpu.memory_space<hbm>>
      tpu.wait_dma2 semaphore(%arg10 : memref<!tpu.dma_semaphore, #tpu.memory_space<semaphore_mem>>) src(%dma_wait3A_518 : memref<200x128xf32, #tpu.memory_space<hbm>>) dst(%dma_wait3A_515 : memref<200x128xf32, #tpu.memory_space<vmem>>)
      %add3A_519 = arith.constant 2 : i32
      %add3A_520 = arith.addi %mul3A_361, %add3A_519 : i32
      %broadcast_in_dim3A_521 = arith.constant 0.000000e+00 : f32
      %broadcast_in_dim3A_522 = vector.broadcast %broadcast_in_dim3A_521 : f32 to vector<16xf32>
      %scan3A_523 = arith.constant 0 : i32
      %scan3A_524 = arith.constant 200 : i32
      %scan3A_525 = arith.addi %scan3A_523, %scan3A_524 : i32
      %scan3A_526 = arith.constant 1 : i32
      %scan3A_527:4 = scf.for %scan3A_575 = %scan3A_523 to %scan3A_525 step %scan3A_526 iter_args(%scan3A_576 = %broadcast_in_dim3A_522, %scan3A_577 = %broadcast_in_dim3A_522, %scan3A_578 = %broadcast_in_dim3A_522, %scan3A_579 = %broadcast_in_dim3A_522) -> (vector<16xf32>, vector<16xf32>, vector<16xf32>, vector<16xf32>)  : i32 {
        %get3A = arith.constant 2 : i32
        %get3A_580 = arith.index_cast %get3A : i32 to index
        %get3A_581 = arith.index_cast %scan3A_575 : i32 to index
        %get3A_582 = arith.constant 0 : index
        %get3A_583 = tpu.vector_load %arg6[%get3A_580, %get3A_581, %get3A_582] {strides = array<i32>} : memref<3x200x128xf32, #tpu.memory_space<vmem>>, vector<1x1x16xf32>,
        %get3A_584 = vector.shape_cast %get3A_583 : vector<1x1x16xf32> to vector<16xf32>
        %add3A_585 = arith.addf %scan3A_576, %get3A_584 : vector<16xf32>
        %get3A_586 = arith.constant 2 : i32
        %get3A_587 = arith.index_cast %get3A_586 : i32 to index
        %get3A_588 = arith.index_cast %scan3A_575 : i32 to index
        %get3A_589 = arith.constant 16 : index
        %get3A_590 = tpu.vector_load %arg6[%get3A_587, %get3A_588, %get3A_589] {strides = array<i32>} : memref<3x200x128xf32, #tpu.memory_space<vmem>>, vector<1x1x16xf32>,
        %get3A_591 = vector.shape_cast %get3A_590 : vector<1x1x16xf32> to vector<16xf32>
        %add3A_592 = arith.addf %scan3A_577, %get3A_591 : vector<16xf32>
        %get3A_593 = arith.constant 2 : i32
        %get3A_594 = arith.index_cast %get3A_593 : i32 to index
        %get3A_595 = arith.index_cast %scan3A_575 : i32 to index
        %get3A_596 = arith.constant 32 : index
        %get3A_597 = tpu.vector_load %arg6[%get3A_594, %get3A_595, %get3A_596] {strides = array<i32>} : memref<3x200x128xf32, #tpu.memory_space<vmem>>, vector<1x1x16xf32>,
        %get3A_598 = vector.shape_cast %get3A_597 : vector<1x1x16xf32> to vector<16xf32>
        %add3A_599 = arith.addf %scan3A_578, %get3A_598 : vector<16xf32>
        %get3A_600 = arith.constant 2 : i32
        %get3A_601 = arith.index_cast %get3A_600 : i32 to index
        %get3A_602 = arith.index_cast %scan3A_575 : i32 to index
        %get3A_603 = arith.constant 48 : index
        %get3A_604 = tpu.vector_load %arg6[%get3A_601, %get3A_602, %get3A_603] {strides = array<i32>} : memref<3x200x128xf32, #tpu.memory_space<vmem>>, vector<1x1x16xf32>,
        %get3A_605 = vector.shape_cast %get3A_604 : vector<1x1x16xf32> to vector<16xf32>
        %add3A_606 = arith.addf %scan3A_579, %get3A_605 : vector<16xf32>
        scf.yield %add3A_585, %add3A_592, %add3A_599, %add3A_606 : vector<16xf32>, vector<16xf32>, vector<16xf32>, vector<16xf32>
      }
      %scan3A_528 = arith.constant 200 : i32
      %swap3A_529 = arith.index_cast %add3A_520 : i32 to index
      %swap3A_530 = arith.constant 0 : index
      %swap3A_531 = tpu.vector_load %arg7[%swap3A_529, %swap3A_530] {strides = array<i32>} : memref<128x64xf32, #tpu.memory_space<vmem>>, vector<1x16xf32>,
      %swap3A_532 = vector.shape_cast %swap3A_531 : vector<1x16xf32> to vector<16xf32>
      %swap3A_533 = vector.shape_cast %scan3A_527#0 : vector<16xf32> to vector<1x16xf32>
      tpu.vector_store %arg7[%swap3A_529, %swap3A_530], %swap3A_533 {strides = array<i32>} : memref<128x64xf32, #tpu.memory_space<vmem>>, vector<1x16xf32>,
      %swap3A_534 = arith.index_cast %add3A_520 : i32 to index
      %swap3A_535 = arith.constant 16 : index
      %swap3A_536 = tpu.vector_load %arg7[%swap3A_534, %swap3A_535] {strides = array<i32>} : memref<128x64xf32, #tpu.memory_space<vmem>>, vector<1x16xf32>,
      %swap3A_537 = vector.shape_cast %swap3A_536 : vector<1x16xf32> to vector<16xf32>
      %swap3A_538 = vector.shape_cast %scan3A_527#1 : vector<16xf32> to vector<1x16xf32>
      tpu.vector_store %arg7[%swap3A_534, %swap3A_535], %swap3A_538 {strides = array<i32>} : memref<128x64xf32, #tpu.memory_space<vmem>>, vector<1x16xf32>,
      %swap3A_539 = arith.index_cast %add3A_520 : i32 to index
      %swap3A_540 = arith.constant 32 : index
      %swap3A_541 = tpu.vector_load %arg7[%swap3A_539, %swap3A_540] {strides = array<i32>} : memref<128x64xf32, #tpu.memory_space<vmem>>, vector<1x16xf32>,
      %swap3A_542 = vector.shape_cast %swap3A_541 : vector<1x16xf32> to vector<16xf32>
      %swap3A_543 = vector.shape_cast %scan3A_527#2 : vector<16xf32> to vector<1x16xf32>
      tpu.vector_store %arg7[%swap3A_539, %swap3A_540], %swap3A_543 {strides = array<i32>} : memref<128x64xf32, #tpu.memory_space<vmem>>, vector<1x16xf32>,
      %swap3A_544 = arith.index_cast %add3A_520 : i32 to index
      %swap3A_545 = arith.constant 48 : index
      %swap3A_546 = tpu.vector_load %arg7[%swap3A_544, %swap3A_545] {strides = array<i32>} : memref<128x64xf32, #tpu.memory_space<vmem>>, vector<1x16xf32>,
      %swap3A_547 = vector.shape_cast %swap3A_546 : vector<1x16xf32> to vector<16xf32>
      %swap3A_548 = vector.shape_cast %scan3A_527#3 : vector<16xf32> to vector<1x16xf32>
      tpu.vector_store %arg7[%swap3A_544, %swap3A_545], %swap3A_548 {strides = array<i32>} : memref<128x64xf32, #tpu.memory_space<vmem>>, vector<1x16xf32>,
      %add3A_549 = arith.constant 2 : i32
      %add3A_550 = arith.addi %mul3A_361, %add3A_549 : i32
      %add3A_551 = arith.constant 3 : i32
      %add3A_552 = arith.addi %add3A_550, %add3A_551 : i32
      %dma_start3A_553 = arith.constant 2 : i32
      %dma_start3A_554 = arith.constant 0 : i32
      %dma_start3A_555 = arith.constant 0 : i32
      %dma_start3A_556 = tpu.memref_slice %arg6[%dma_start3A_553, %dma_start3A_554, %dma_start3A_555] : memref<3x200x128xf32, #tpu.memory_space<vmem>> -> memref<1x128x128xf32, #tpu.memory_space<vmem>>
      %dma_start3A_557 = tpu.memref_squeeze %dma_start3A_556 : memref<1x128x128xf32, #tpu.memory_space<vmem>> -> memref<128x128xf32, #tpu.memory_space<vmem>>
      %dma_start3A_558 = arith.constant 0 : i32
      %dma_start3A_559 = tpu.memref_slice %arg5[%add3A_552, %dma_start3A_558] : memref<128x200xi32, #tpu.memory_space<vmem>> -> memref<1x128xi32, #tpu.memory_space<vmem>>
      %dma_start3A_560 = tpu.memref_squeeze %dma_start3A_559 : memref<1x128xi32, #tpu.memory_space<vmem>> -> memref<128xi32, #tpu.memory_space<vmem>>
      %dma_start3A_561 = arith.constant 0 : i32
      %dma_start3A_562 = arith.constant 0 : i32
      %dma_start3A_563 = tpu.memref_slice %arg3[%dma_start3A_561, %dma_start3A_562] : memref<1000000x128xf32, #tpu.memory_space<hbm>> -> memref<1000000x128xf32, #tpu.memory_space<hbm>>
      tpu.enqueue_indirect_dma source(%dma_start3A_563 : memref<1000000x128xf32, #tpu.memory_space<hbm>>) target(%dma_start3A_557 : memref<128x128xf32, #tpu.memory_space<vmem>>) offsets(%dma_start3A_560 : memref<128xi32, #tpu.memory_space<vmem>>) semaphore(%arg10 : memref<!tpu.dma_semaphore, #tpu.memory_space<semaphore_mem>>)
      %dma_start3A_564 = arith.constant 2 : i32
      %dma_start3A_565 = arith.constant 128 : i32
      %dma_start3A_566 = arith.constant 0 : i32
      %dma_start3A_567 = tpu.memref_slice %arg6[%dma_start3A_564, %dma_start3A_565, %dma_start3A_566] : memref<3x200x128xf32, #tpu.memory_space<vmem>> -> memref<1x72x128xf32, #tpu.memory_space<vmem>>
      %dma_start3A_568 = tpu.memref_squeeze %dma_start3A_567 : memref<1x72x128xf32, #tpu.memory_space<vmem>> -> memref<72x128xf32, #tpu.memory_space<vmem>>
      %dma_start3A_569 = arith.constant 128 : i32
      %dma_start3A_570 = tpu.memref_slice %arg5[%add3A_552, %dma_start3A_569] : memref<128x200xi32, #tpu.memory_space<vmem>> -> memref<1x72xi32, #tpu.memory_space<vmem>>
      %dma_start3A_571 = tpu.memref_squeeze %dma_start3A_570 : memref<1x72xi32, #tpu.memory_space<vmem>> -> memref<72xi32, #tpu.memory_space<vmem>>
      %dma_start3A_572 = arith.constant 0 : i32
      %dma_start3A_573 = arith.constant 0 : i32
      %dma_start3A_574 = tpu.memref_slice %arg3[%dma_start3A_572, %dma_start3A_573] : memref<1000000x128xf32, #tpu.memory_space<hbm>> -> memref<1000000x128xf32, #tpu.memory_space<hbm>>
      tpu.enqueue_indirect_dma source(%dma_start3A_574 : memref<1000000x128xf32, #tpu.memory_space<hbm>>) target(%dma_start3A_568 : memref<72x128xf32, #tpu.memory_space<vmem>>) offsets(%dma_start3A_571 : memref<72xi32, #tpu.memory_space<vmem>>) semaphore(%arg10 : memref<!tpu.dma_semaphore, #tpu.memory_space<semaphore_mem>>)
    }
    %scan3A_78 = arith.constant 41 : i32
    %dma_wait3A = arith.constant 0 : i32
    %dma_wait3A_79 = arith.constant 0 : i32
    %dma_wait3A_80 = arith.constant 0 : i32
    %dma_wait3A_81 = tpu.memref_slice %arg6[%dma_wait3A, %dma_wait3A_79, %dma_wait3A_80] : memref<3x200x128xf32, #tpu.memory_space<vmem>> -> memref<1x200x128xf32, #tpu.memory_space<vmem>>
    %dma_wait3A_82 = tpu.memref_squeeze %dma_wait3A_81 : memref<1x200x128xf32, #tpu.memory_space<vmem>> -> memref<200x128xf32, #tpu.memory_space<vmem>>
    %dma_wait3A_83 = arith.constant 0 : i32
    %dma_wait3A_84 = arith.constant 0 : i32
    %dma_wait3A_85 = tpu.memref_slice %arg3[%dma_wait3A_83, %dma_wait3A_84] : memref<1000000x128xf32, #tpu.memory_space<hbm>> -> memref<200x128xf32, #tpu.memory_space<hbm>>
    %dma_wait3A_86 = arith.constant 0 : i32
    %dma_wait3A_87 = arith.constant 0 : i32
    %dma_wait3A_88 = tpu.memref_slice %arg6[%dma_wait3A, %dma_wait3A_86, %dma_wait3A_87] : memref<3x200x128xf32, #tpu.memory_space<vmem>> -> memref<1x200x128xf32, #tpu.memory_space<vmem>>
    %dma_wait3A_89 = tpu.memref_squeeze %dma_wait3A_88 : memref<1x200x128xf32, #tpu.memory_space<vmem>> -> memref<200x128xf32, #tpu.memory_space<vmem>>
    %dma_wait3A_90 = arith.constant 0 : i32
    %dma_wait3A_91 = arith.constant 0 : i32
    %dma_wait3A_92 = tpu.memref_slice %arg3[%dma_wait3A_90, %dma_wait3A_91] : memref<1000000x128xf32, #tpu.memory_space<hbm>> -> memref<200x128xf32, #tpu.memory_space<hbm>>
    tpu.wait_dma2 semaphore(%arg8 : memref<!tpu.dma_semaphore, #tpu.memory_space<semaphore_mem>>) src(%dma_wait3A_92 : memref<200x128xf32, #tpu.memory_space<hbm>>) dst(%dma_wait3A_89 : memref<200x128xf32, #tpu.memory_space<vmem>>)
    %broadcast_in_dim3A = arith.constant 0.000000e+00 : f32
    %broadcast_in_dim3A_93 = vector.broadcast %broadcast_in_dim3A : f32 to vector<16xf32>
    %scan3A_94 = arith.constant 0 : i32
    %scan3A_95 = arith.constant 200 : i32
    %scan3A_96 = arith.addi %scan3A_94, %scan3A_95 : i32
    %scan3A_97 = arith.constant 1 : i32
    %scan3A_98:4 = scf.for %scan3A_359 = %scan3A_94 to %scan3A_96 step %scan3A_97 iter_args(%scan3A_360 = %broadcast_in_dim3A_93, %scan3A_361 = %broadcast_in_dim3A_93, %scan3A_362 = %broadcast_in_dim3A_93, %scan3A_363 = %broadcast_in_dim3A_93) -> (vector<16xf32>, vector<16xf32>, vector<16xf32>, vector<16xf32>)  : i32 {
      %get3A = arith.constant 0 : i32
      %get3A_364 = arith.index_cast %get3A : i32 to index
      %get3A_365 = arith.index_cast %scan3A_359 : i32 to index
      %get3A_366 = arith.constant 0 : index
      %get3A_367 = tpu.vector_load %arg6[%get3A_364, %get3A_365, %get3A_366] {strides = array<i32>} : memref<3x200x128xf32, #tpu.memory_space<vmem>>, vector<1x1x16xf32>,
      %get3A_368 = vector.shape_cast %get3A_367 : vector<1x1x16xf32> to vector<16xf32>
      %add3A_369 = arith.addf %scan3A_360, %get3A_368 : vector<16xf32>
      %get3A_370 = arith.constant 0 : i32
      %get3A_371 = arith.index_cast %get3A_370 : i32 to index
      %get3A_372 = arith.index_cast %scan3A_359 : i32 to index
      %get3A_373 = arith.constant 16 : index
      %get3A_374 = tpu.vector_load %arg6[%get3A_371, %get3A_372, %get3A_373] {strides = array<i32>} : memref<3x200x128xf32, #tpu.memory_space<vmem>>, vector<1x1x16xf32>,
      %get3A_375 = vector.shape_cast %get3A_374 : vector<1x1x16xf32> to vector<16xf32>
      %add3A_376 = arith.addf %scan3A_361, %get3A_375 : vector<16xf32>
      %get3A_377 = arith.constant 0 : i32
      %get3A_378 = arith.index_cast %get3A_377 : i32 to index
      %get3A_379 = arith.index_cast %scan3A_359 : i32 to index
      %get3A_380 = arith.constant 32 : index
      %get3A_381 = tpu.vector_load %arg6[%get3A_378, %get3A_379, %get3A_380] {strides = array<i32>} : memref<3x200x128xf32, #tpu.memory_space<vmem>>, vector<1x1x16xf32>,
      %get3A_382 = vector.shape_cast %get3A_381 : vector<1x1x16xf32> to vector<16xf32>
      %add3A_383 = arith.addf %scan3A_362, %get3A_382 : vector<16xf32>
      %get3A_384 = arith.constant 0 : i32
      %get3A_385 = arith.index_cast %get3A_384 : i32 to index
      %get3A_386 = arith.index_cast %scan3A_359 : i32 to index
      %get3A_387 = arith.constant 48 : index
      %get3A_388 = tpu.vector_load %arg6[%get3A_385, %get3A_386, %get3A_387] {strides = array<i32>} : memref<3x200x128xf32, #tpu.memory_space<vmem>>, vector<1x1x16xf32>,
      %get3A_389 = vector.shape_cast %get3A_388 : vector<1x1x16xf32> to vector<16xf32>
      %add3A_390 = arith.addf %scan3A_363, %get3A_389 : vector<16xf32>
      scf.yield %add3A_369, %add3A_376, %add3A_383, %add3A_390 : vector<16xf32>, vector<16xf32>, vector<16xf32>, vector<16xf32>
    }
    %scan3A_99 = arith.constant 200 : i32
    %swap3A = arith.constant 123 : i32
    %swap3A_100 = arith.index_cast %swap3A : i32 to index
    %swap3A_101 = arith.constant 0 : index
    %swap3A_102 = tpu.vector_load %arg7[%swap3A_100, %swap3A_101] {strides = array<i32>} : memref<128x64xf32, #tpu.memory_space<vmem>>, vector<1x16xf32>,
    %swap3A_103 = vector.shape_cast %swap3A_102 : vector<1x16xf32> to vector<16xf32>
    %swap3A_104 = vector.shape_cast %scan3A_98#0 : vector<16xf32> to vector<1x16xf32>
    tpu.vector_store %arg7[%swap3A_100, %swap3A_101], %swap3A_104 {strides = array<i32>} : memref<128x64xf32, #tpu.memory_space<vmem>>, vector<1x16xf32>,
    %swap3A_105 = arith.constant 123 : i32
    %swap3A_106 = arith.index_cast %swap3A_105 : i32 to index
    %swap3A_107 = arith.constant 16 : index
    %swap3A_108 = tpu.vector_load %arg7[%swap3A_106, %swap3A_107] {strides = array<i32>} : memref<128x64xf32, #tpu.memory_space<vmem>>, vector<1x16xf32>,
    %swap3A_109 = vector.shape_cast %swap3A_108 : vector<1x16xf32> to vector<16xf32>
    %swap3A_110 = vector.shape_cast %scan3A_98#1 : vector<16xf32> to vector<1x16xf32>
    tpu.vector_store %arg7[%swap3A_106, %swap3A_107], %swap3A_110 {strides = array<i32>} : memref<128x64xf32, #tpu.memory_space<vmem>>, vector<1x16xf32>,
    %swap3A_111 = arith.constant 123 : i32
    %swap3A_112 = arith.index_cast %swap3A_111 : i32 to index
    %swap3A_113 = arith.constant 32 : index
    %swap3A_114 = tpu.vector_load %arg7[%swap3A_112, %swap3A_113] {strides = array<i32>} : memref<128x64xf32, #tpu.memory_space<vmem>>, vector<1x16xf32>,
    %swap3A_115 = vector.shape_cast %swap3A_114 : vector<1x16xf32> to vector<16xf32>
    %swap3A_116 = vector.shape_cast %scan3A_98#2 : vector<16xf32> to vector<1x16xf32>
    tpu.vector_store %arg7[%swap3A_112, %swap3A_113], %swap3A_116 {strides = array<i32>} : memref<128x64xf32, #tpu.memory_space<vmem>>, vector<1x16xf32>,
    %swap3A_117 = arith.constant 123 : i32
    %swap3A_118 = arith.index_cast %swap3A_117 : i32 to index
    %swap3A_119 = arith.constant 48 : index
    %swap3A_120 = tpu.vector_load %arg7[%swap3A_118, %swap3A_119] {strides = array<i32>} : memref<128x64xf32, #tpu.memory_space<vmem>>, vector<1x16xf32>,
    %swap3A_121 = vector.shape_cast %swap3A_120 : vector<1x16xf32> to vector<16xf32>
    %swap3A_122 = vector.shape_cast %scan3A_98#3 : vector<16xf32> to vector<1x16xf32>
    tpu.vector_store %arg7[%swap3A_118, %swap3A_119], %swap3A_122 {strides = array<i32>} : memref<128x64xf32, #tpu.memory_space<vmem>>, vector<1x16xf32>,
    %dma_start3A_123 = arith.constant 126 : i32
    %dma_start3A_124 = arith.constant 0 : i32
    %dma_start3A_125 = arith.constant 0 : i32
    %dma_start3A_126 = arith.constant 0 : i32
    %dma_start3A_127 = tpu.memref_slice %arg6[%dma_start3A_124, %dma_start3A_125, %dma_start3A_126] : memref<3x200x128xf32, #tpu.memory_space<vmem>> -> memref<1x128x128xf32, #tpu.memory_space<vmem>>
    %dma_start3A_128 = tpu.memref_squeeze %dma_start3A_127 : memref<1x128x128xf32, #tpu.memory_space<vmem>> -> memref<128x128xf32, #tpu.memory_space<vmem>>
    %dma_start3A_129 = arith.constant 0 : i32
    %dma_start3A_130 = tpu.memref_slice %arg5[%dma_start3A_123, %dma_start3A_129] : memref<128x200xi32, #tpu.memory_space<vmem>> -> memref<1x128xi32, #tpu.memory_space<vmem>>
    %dma_start3A_131 = tpu.memref_squeeze %dma_start3A_130 : memref<1x128xi32, #tpu.memory_space<vmem>> -> memref<128xi32, #tpu.memory_space<vmem>>
    %dma_start3A_132 = arith.constant 0 : i32
    %dma_start3A_133 = arith.constant 0 : i32
    %dma_start3A_134 = tpu.memref_slice %arg3[%dma_start3A_132, %dma_start3A_133] : memref<1000000x128xf32, #tpu.memory_space<hbm>> -> memref<1000000x128xf32, #tpu.memory_space<hbm>>
    tpu.enqueue_indirect_dma source(%dma_start3A_134 : memref<1000000x128xf32, #tpu.memory_space<hbm>>) target(%dma_start3A_128 : memref<128x128xf32, #tpu.memory_space<vmem>>) offsets(%dma_start3A_131 : memref<128xi32, #tpu.memory_space<vmem>>) semaphore(%arg8 : memref<!tpu.dma_semaphore, #tpu.memory_space<semaphore_mem>>)
    %dma_start3A_135 = arith.constant 126 : i32
    %dma_start3A_136 = arith.constant 0 : i32
    %dma_start3A_137 = arith.constant 128 : i32
    %dma_start3A_138 = arith.constant 0 : i32
    %dma_start3A_139 = tpu.memref_slice %arg6[%dma_start3A_136, %dma_start3A_137, %dma_start3A_138] : memref<3x200x128xf32, #tpu.memory_space<vmem>> -> memref<1x72x128xf32, #tpu.memory_space<vmem>>
    %dma_start3A_140 = tpu.memref_squeeze %dma_start3A_139 : memref<1x72x128xf32, #tpu.memory_space<vmem>> -> memref<72x128xf32, #tpu.memory_space<vmem>>
    %dma_start3A_141 = arith.constant 128 : i32
    %dma_start3A_142 = tpu.memref_slice %arg5[%dma_start3A_135, %dma_start3A_141] : memref<128x200xi32, #tpu.memory_space<vmem>> -> memref<1x72xi32, #tpu.memory_space<vmem>>
    %dma_start3A_143 = tpu.memref_squeeze %dma_start3A_142 : memref<1x72xi32, #tpu.memory_space<vmem>> -> memref<72xi32, #tpu.memory_space<vmem>>
    %dma_start3A_144 = arith.constant 0 : i32
    %dma_start3A_145 = arith.constant 0 : i32
    %dma_start3A_146 = tpu.memref_slice %arg3[%dma_start3A_144, %dma_start3A_145] : memref<1000000x128xf32, #tpu.memory_space<hbm>> -> memref<1000000x128xf32, #tpu.memory_space<hbm>>
    tpu.enqueue_indirect_dma source(%dma_start3A_146 : memref<1000000x128xf32, #tpu.memory_space<hbm>>) target(%dma_start3A_140 : memref<72x128xf32, #tpu.memory_space<vmem>>) offsets(%dma_start3A_143 : memref<72xi32, #tpu.memory_space<vmem>>) semaphore(%arg8 : memref<!tpu.dma_semaphore, #tpu.memory_space<semaphore_mem>>)
    %dma_wait3A_147 = arith.constant 1 : i32
    %dma_wait3A_148 = arith.constant 0 : i32
    %dma_wait3A_149 = arith.constant 0 : i32
    %dma_wait3A_150 = tpu.memref_slice %arg6[%dma_wait3A_147, %dma_wait3A_148, %dma_wait3A_149] : memref<3x200x128xf32, #tpu.memory_space<vmem>> -> memref<1x200x128xf32, #tpu.memory_space<vmem>>
    %dma_wait3A_151 = tpu.memref_squeeze %dma_wait3A_150 : memref<1x200x128xf32, #tpu.memory_space<vmem>> -> memref<200x128xf32, #tpu.memory_space<vmem>>
    %dma_wait3A_152 = arith.constant 0 : i32
    %dma_wait3A_153 = arith.constant 0 : i32
    %dma_wait3A_154 = tpu.memref_slice %arg3[%dma_wait3A_152, %dma_wait3A_153] : memref<1000000x128xf32, #tpu.memory_space<hbm>> -> memref<200x128xf32, #tpu.memory_space<hbm>>
    %dma_wait3A_155 = arith.constant 0 : i32
    %dma_wait3A_156 = arith.constant 0 : i32
    %dma_wait3A_157 = tpu.memref_slice %arg6[%dma_wait3A_147, %dma_wait3A_155, %dma_wait3A_156] : memref<3x200x128xf32, #tpu.memory_space<vmem>> -> memref<1x200x128xf32, #tpu.memory_space<vmem>>
    %dma_wait3A_158 = tpu.memref_squeeze %dma_wait3A_157 : memref<1x200x128xf32, #tpu.memory_space<vmem>> -> memref<200x128xf32, #tpu.memory_space<vmem>>
    %dma_wait3A_159 = arith.constant 0 : i32
    %dma_wait3A_160 = arith.constant 0 : i32
    %dma_wait3A_161 = tpu.memref_slice %arg3[%dma_wait3A_159, %dma_wait3A_160] : memref<1000000x128xf32, #tpu.memory_space<hbm>> -> memref<200x128xf32, #tpu.memory_space<hbm>>
    tpu.wait_dma2 semaphore(%arg9 : memref<!tpu.dma_semaphore, #tpu.memory_space<semaphore_mem>>) src(%dma_wait3A_161 : memref<200x128xf32, #tpu.memory_space<hbm>>) dst(%dma_wait3A_158 : memref<200x128xf32, #tpu.memory_space<vmem>>)
    %broadcast_in_dim3A_162 = arith.constant 0.000000e+00 : f32
    %broadcast_in_dim3A_163 = vector.broadcast %broadcast_in_dim3A_162 : f32 to vector<16xf32>
    %scan3A_164 = arith.constant 0 : i32
    %scan3A_165 = arith.constant 200 : i32
    %scan3A_166 = arith.addi %scan3A_164, %scan3A_165 : i32
    %scan3A_167 = arith.constant 1 : i32
    %scan3A_168:4 = scf.for %scan3A_359 = %scan3A_164 to %scan3A_166 step %scan3A_167 iter_args(%scan3A_360 = %broadcast_in_dim3A_163, %scan3A_361 = %broadcast_in_dim3A_163, %scan3A_362 = %broadcast_in_dim3A_163, %scan3A_363 = %broadcast_in_dim3A_163) -> (vector<16xf32>, vector<16xf32>, vector<16xf32>, vector<16xf32>)  : i32 {
      %get3A = arith.constant 1 : i32
      %get3A_364 = arith.index_cast %get3A : i32 to index
      %get3A_365 = arith.index_cast %scan3A_359 : i32 to index
      %get3A_366 = arith.constant 0 : index
      %get3A_367 = tpu.vector_load %arg6[%get3A_364, %get3A_365, %get3A_366] {strides = array<i32>} : memref<3x200x128xf32, #tpu.memory_space<vmem>>, vector<1x1x16xf32>,
      %get3A_368 = vector.shape_cast %get3A_367 : vector<1x1x16xf32> to vector<16xf32>
      %add3A_369 = arith.addf %scan3A_360, %get3A_368 : vector<16xf32>
      %get3A_370 = arith.constant 1 : i32
      %get3A_371 = arith.index_cast %get3A_370 : i32 to index
      %get3A_372 = arith.index_cast %scan3A_359 : i32 to index
      %get3A_373 = arith.constant 16 : index
      %get3A_374 = tpu.vector_load %arg6[%get3A_371, %get3A_372, %get3A_373] {strides = array<i32>} : memref<3x200x128xf32, #tpu.memory_space<vmem>>, vector<1x1x16xf32>,
      %get3A_375 = vector.shape_cast %get3A_374 : vector<1x1x16xf32> to vector<16xf32>
      %add3A_376 = arith.addf %scan3A_361, %get3A_375 : vector<16xf32>
      %get3A_377 = arith.constant 1 : i32
      %get3A_378 = arith.index_cast %get3A_377 : i32 to index
      %get3A_379 = arith.index_cast %scan3A_359 : i32 to index
      %get3A_380 = arith.constant 32 : index
      %get3A_381 = tpu.vector_load %arg6[%get3A_378, %get3A_379, %get3A_380] {strides = array<i32>} : memref<3x200x128xf32, #tpu.memory_space<vmem>>, vector<1x1x16xf32>,
      %get3A_382 = vector.shape_cast %get3A_381 : vector<1x1x16xf32> to vector<16xf32>
      %add3A_383 = arith.addf %scan3A_362, %get3A_382 : vector<16xf32>
      %get3A_384 = arith.constant 1 : i32
      %get3A_385 = arith.index_cast %get3A_384 : i32 to index
      %get3A_386 = arith.index_cast %scan3A_359 : i32 to index
      %get3A_387 = arith.constant 48 : index
      %get3A_388 = tpu.vector_load %arg6[%get3A_385, %get3A_386, %get3A_387] {strides = array<i32>} : memref<3x200x128xf32, #tpu.memory_space<vmem>>, vector<1x1x16xf32>,
      %get3A_389 = vector.shape_cast %get3A_388 : vector<1x1x16xf32> to vector<16xf32>
      %add3A_390 = arith.addf %scan3A_363, %get3A_389 : vector<16xf32>
      scf.yield %add3A_369, %add3A_376, %add3A_383, %add3A_390 : vector<16xf32>, vector<16xf32>, vector<16xf32>, vector<16xf32>
    }
    %scan3A_169 = arith.constant 200 : i32
    %swap3A_170 = arith.constant 124 : i32
    %swap3A_171 = arith.index_cast %swap3A_170 : i32 to index
    %swap3A_172 = arith.constant 0 : index
    %swap3A_173 = tpu.vector_load %arg7[%swap3A_171, %swap3A_172] {strides = array<i32>} : memref<128x64xf32, #tpu.memory_space<vmem>>, vector<1x16xf32>,
    %swap3A_174 = vector.shape_cast %swap3A_173 : vector<1x16xf32> to vector<16xf32>
    %swap3A_175 = vector.shape_cast %scan3A_168#0 : vector<16xf32> to vector<1x16xf32>
    tpu.vector_store %arg7[%swap3A_171, %swap3A_172], %swap3A_175 {strides = array<i32>} : memref<128x64xf32, #tpu.memory_space<vmem>>, vector<1x16xf32>,
    %swap3A_176 = arith.constant 124 : i32
    %swap3A_177 = arith.index_cast %swap3A_176 : i32 to index
    %swap3A_178 = arith.constant 16 : index
    %swap3A_179 = tpu.vector_load %arg7[%swap3A_177, %swap3A_178] {strides = array<i32>} : memref<128x64xf32, #tpu.memory_space<vmem>>, vector<1x16xf32>,
    %swap3A_180 = vector.shape_cast %swap3A_179 : vector<1x16xf32> to vector<16xf32>
    %swap3A_181 = vector.shape_cast %scan3A_168#1 : vector<16xf32> to vector<1x16xf32>
    tpu.vector_store %arg7[%swap3A_177, %swap3A_178], %swap3A_181 {strides = array<i32>} : memref<128x64xf32, #tpu.memory_space<vmem>>, vector<1x16xf32>,
    %swap3A_182 = arith.constant 124 : i32
    %swap3A_183 = arith.index_cast %swap3A_182 : i32 to index
    %swap3A_184 = arith.constant 32 : index
    %swap3A_185 = tpu.vector_load %arg7[%swap3A_183, %swap3A_184] {strides = array<i32>} : memref<128x64xf32, #tpu.memory_space<vmem>>, vector<1x16xf32>,
    %swap3A_186 = vector.shape_cast %swap3A_185 : vector<1x16xf32> to vector<16xf32>
    %swap3A_187 = vector.shape_cast %scan3A_168#2 : vector<16xf32> to vector<1x16xf32>
    tpu.vector_store %arg7[%swap3A_183, %swap3A_184], %swap3A_187 {strides = array<i32>} : memref<128x64xf32, #tpu.memory_space<vmem>>, vector<1x16xf32>,
    %swap3A_188 = arith.constant 124 : i32
    %swap3A_189 = arith.index_cast %swap3A_188 : i32 to index
    %swap3A_190 = arith.constant 48 : index
    %swap3A_191 = tpu.vector_load %arg7[%swap3A_189, %swap3A_190] {strides = array<i32>} : memref<128x64xf32, #tpu.memory_space<vmem>>, vector<1x16xf32>,
    %swap3A_192 = vector.shape_cast %swap3A_191 : vector<1x16xf32> to vector<16xf32>
    %swap3A_193 = vector.shape_cast %scan3A_168#3 : vector<16xf32> to vector<1x16xf32>
    tpu.vector_store %arg7[%swap3A_189, %swap3A_190], %swap3A_193 {strides = array<i32>} : memref<128x64xf32, #tpu.memory_space<vmem>>, vector<1x16xf32>,
    %dma_start3A_194 = arith.constant 127 : i32
    %dma_start3A_195 = arith.constant 1 : i32
    %dma_start3A_196 = arith.constant 0 : i32
    %dma_start3A_197 = arith.constant 0 : i32
    %dma_start3A_198 = tpu.memref_slice %arg6[%dma_start3A_195, %dma_start3A_196, %dma_start3A_197] : memref<3x200x128xf32, #tpu.memory_space<vmem>> -> memref<1x128x128xf32, #tpu.memory_space<vmem>>
    %dma_start3A_199 = tpu.memref_squeeze %dma_start3A_198 : memref<1x128x128xf32, #tpu.memory_space<vmem>> -> memref<128x128xf32, #tpu.memory_space<vmem>>
    %dma_start3A_200 = arith.constant 0 : i32
    %dma_start3A_201 = tpu.memref_slice %arg5[%dma_start3A_194, %dma_start3A_200] : memref<128x200xi32, #tpu.memory_space<vmem>> -> memref<1x128xi32, #tpu.memory_space<vmem>>
    %dma_start3A_202 = tpu.memref_squeeze %dma_start3A_201 : memref<1x128xi32, #tpu.memory_space<vmem>> -> memref<128xi32, #tpu.memory_space<vmem>>
    %dma_start3A_203 = arith.constant 0 : i32
    %dma_start3A_204 = arith.constant 0 : i32
    %dma_start3A_205 = tpu.memref_slice %arg3[%dma_start3A_203, %dma_start3A_204] : memref<1000000x128xf32, #tpu.memory_space<hbm>> -> memref<1000000x128xf32, #tpu.memory_space<hbm>>
    tpu.enqueue_indirect_dma source(%dma_start3A_205 : memref<1000000x128xf32, #tpu.memory_space<hbm>>) target(%dma_start3A_199 : memref<128x128xf32, #tpu.memory_space<vmem>>) offsets(%dma_start3A_202 : memref<128xi32, #tpu.memory_space<vmem>>) semaphore(%arg9 : memref<!tpu.dma_semaphore, #tpu.memory_space<semaphore_mem>>)
    %dma_start3A_206 = arith.constant 127 : i32
    %dma_start3A_207 = arith.constant 1 : i32
    %dma_start3A_208 = arith.constant 128 : i32
    %dma_start3A_209 = arith.constant 0 : i32
    %dma_start3A_210 = tpu.memref_slice %arg6[%dma_start3A_207, %dma_start3A_208, %dma_start3A_209] : memref<3x200x128xf32, #tpu.memory_space<vmem>> -> memref<1x72x128xf32, #tpu.memory_space<vmem>>
    %dma_start3A_211 = tpu.memref_squeeze %dma_start3A_210 : memref<1x72x128xf32, #tpu.memory_space<vmem>> -> memref<72x128xf32, #tpu.memory_space<vmem>>
    %dma_start3A_212 = arith.constant 128 : i32
    %dma_start3A_213 = tpu.memref_slice %arg5[%dma_start3A_206, %dma_start3A_212] : memref<128x200xi32, #tpu.memory_space<vmem>> -> memref<1x72xi32, #tpu.memory_space<vmem>>
    %dma_start3A_214 = tpu.memref_squeeze %dma_start3A_213 : memref<1x72xi32, #tpu.memory_space<vmem>> -> memref<72xi32, #tpu.memory_space<vmem>>
    %dma_start3A_215 = arith.constant 0 : i32
    %dma_start3A_216 = arith.constant 0 : i32
    %dma_start3A_217 = tpu.memref_slice %arg3[%dma_start3A_215, %dma_start3A_216] : memref<1000000x128xf32, #tpu.memory_space<hbm>> -> memref<1000000x128xf32, #tpu.memory_space<hbm>>
    tpu.enqueue_indirect_dma source(%dma_start3A_217 : memref<1000000x128xf32, #tpu.memory_space<hbm>>) target(%dma_start3A_211 : memref<72x128xf32, #tpu.memory_space<vmem>>) offsets(%dma_start3A_214 : memref<72xi32, #tpu.memory_space<vmem>>) semaphore(%arg9 : memref<!tpu.dma_semaphore, #tpu.memory_space<semaphore_mem>>)
    %dma_wait3A_218 = arith.constant 2 : i32
    %dma_wait3A_219 = arith.constant 0 : i32
    %dma_wait3A_220 = arith.constant 0 : i32
    %dma_wait3A_221 = tpu.memref_slice %arg6[%dma_wait3A_218, %dma_wait3A_219, %dma_wait3A_220] : memref<3x200x128xf32, #tpu.memory_space<vmem>> -> memref<1x200x128xf32, #tpu.memory_space<vmem>>
    %dma_wait3A_222 = tpu.memref_squeeze %dma_wait3A_221 : memref<1x200x128xf32, #tpu.memory_space<vmem>> -> memref<200x128xf32, #tpu.memory_space<vmem>>
    %dma_wait3A_223 = arith.constant 0 : i32
    %dma_wait3A_224 = arith.constant 0 : i32
    %dma_wait3A_225 = tpu.memref_slice %arg3[%dma_wait3A_223, %dma_wait3A_224] : memref<1000000x128xf32, #tpu.memory_space<hbm>> -> memref<200x128xf32, #tpu.memory_space<hbm>>
    %dma_wait3A_226 = arith.constant 0 : i32
    %dma_wait3A_227 = arith.constant 0 : i32
    %dma_wait3A_228 = tpu.memref_slice %arg6[%dma_wait3A_218, %dma_wait3A_226, %dma_wait3A_227] : memref<3x200x128xf32, #tpu.memory_space<vmem>> -> memref<1x200x128xf32, #tpu.memory_space<vmem>>
    %dma_wait3A_229 = tpu.memref_squeeze %dma_wait3A_228 : memref<1x200x128xf32, #tpu.memory_space<vmem>> -> memref<200x128xf32, #tpu.memory_space<vmem>>
    %dma_wait3A_230 = arith.constant 0 : i32
    %dma_wait3A_231 = arith.constant 0 : i32
    %dma_wait3A_232 = tpu.memref_slice %arg3[%dma_wait3A_230, %dma_wait3A_231] : memref<1000000x128xf32, #tpu.memory_space<hbm>> -> memref<200x128xf32, #tpu.memory_space<hbm>>
    tpu.wait_dma2 semaphore(%arg10 : memref<!tpu.dma_semaphore, #tpu.memory_space<semaphore_mem>>) src(%dma_wait3A_232 : memref<200x128xf32, #tpu.memory_space<hbm>>) dst(%dma_wait3A_229 : memref<200x128xf32, #tpu.memory_space<vmem>>)
    %broadcast_in_dim3A_233 = arith.constant 0.000000e+00 : f32
    %broadcast_in_dim3A_234 = vector.broadcast %broadcast_in_dim3A_233 : f32 to vector<16xf32>
    %scan3A_235 = arith.constant 0 : i32
    %scan3A_236 = arith.constant 200 : i32
    %scan3A_237 = arith.addi %scan3A_235, %scan3A_236 : i32
    %scan3A_238 = arith.constant 1 : i32
    %scan3A_239:4 = scf.for %scan3A_359 = %scan3A_235 to %scan3A_237 step %scan3A_238 iter_args(%scan3A_360 = %broadcast_in_dim3A_234, %scan3A_361 = %broadcast_in_dim3A_234, %scan3A_362 = %broadcast_in_dim3A_234, %scan3A_363 = %broadcast_in_dim3A_234) -> (vector<16xf32>, vector<16xf32>, vector<16xf32>, vector<16xf32>)  : i32 {
      %get3A = arith.constant 2 : i32
      %get3A_364 = arith.index_cast %get3A : i32 to index
      %get3A_365 = arith.index_cast %scan3A_359 : i32 to index
      %get3A_366 = arith.constant 0 : index
      %get3A_367 = tpu.vector_load %arg6[%get3A_364, %get3A_365, %get3A_366] {strides = array<i32>} : memref<3x200x128xf32, #tpu.memory_space<vmem>>, vector<1x1x16xf32>,
      %get3A_368 = vector.shape_cast %get3A_367 : vector<1x1x16xf32> to vector<16xf32>
      %add3A_369 = arith.addf %scan3A_360, %get3A_368 : vector<16xf32>
      %get3A_370 = arith.constant 2 : i32
      %get3A_371 = arith.index_cast %get3A_370 : i32 to index
      %get3A_372 = arith.index_cast %scan3A_359 : i32 to index
      %get3A_373 = arith.constant 16 : index
      %get3A_374 = tpu.vector_load %arg6[%get3A_371, %get3A_372, %get3A_373] {strides = array<i32>} : memref<3x200x128xf32, #tpu.memory_space<vmem>>, vector<1x1x16xf32>,
      %get3A_375 = vector.shape_cast %get3A_374 : vector<1x1x16xf32> to vector<16xf32>
      %add3A_376 = arith.addf %scan3A_361, %get3A_375 : vector<16xf32>
      %get3A_377 = arith.constant 2 : i32
      %get3A_378 = arith.index_cast %get3A_377 : i32 to index
      %get3A_379 = arith.index_cast %scan3A_359 : i32 to index
      %get3A_380 = arith.constant 32 : index
      %get3A_381 = tpu.vector_load %arg6[%get3A_378, %get3A_379, %get3A_380] {strides = array<i32>} : memref<3x200x128xf32, #tpu.memory_space<vmem>>, vector<1x1x16xf32>,
      %get3A_382 = vector.shape_cast %get3A_381 : vector<1x1x16xf32> to vector<16xf32>
      %add3A_383 = arith.addf %scan3A_362, %get3A_382 : vector<16xf32>
      %get3A_384 = arith.constant 2 : i32
      %get3A_385 = arith.index_cast %get3A_384 : i32 to index
      %get3A_386 = arith.index_cast %scan3A_359 : i32 to index
      %get3A_387 = arith.constant 48 : index
      %get3A_388 = tpu.vector_load %arg6[%get3A_385, %get3A_386, %get3A_387] {strides = array<i32>} : memref<3x200x128xf32, #tpu.memory_space<vmem>>, vector<1x1x16xf32>,
      %get3A_389 = vector.shape_cast %get3A_388 : vector<1x1x16xf32> to vector<16xf32>
      %add3A_390 = arith.addf %scan3A_363, %get3A_389 : vector<16xf32>
      scf.yield %add3A_369, %add3A_376, %add3A_383, %add3A_390 : vector<16xf32>, vector<16xf32>, vector<16xf32>, vector<16xf32>
    }
    %scan3A_240 = arith.constant 200 : i32
    %swap3A_241 = arith.constant 125 : i32
    %swap3A_242 = arith.index_cast %swap3A_241 : i32 to index
    %swap3A_243 = arith.constant 0 : index
    %swap3A_244 = tpu.vector_load %arg7[%swap3A_242, %swap3A_243] {strides = array<i32>} : memref<128x64xf32, #tpu.memory_space<vmem>>, vector<1x16xf32>,
    %swap3A_245 = vector.shape_cast %swap3A_244 : vector<1x16xf32> to vector<16xf32>
    %swap3A_246 = vector.shape_cast %scan3A_239#0 : vector<16xf32> to vector<1x16xf32>
    tpu.vector_store %arg7[%swap3A_242, %swap3A_243], %swap3A_246 {strides = array<i32>} : memref<128x64xf32, #tpu.memory_space<vmem>>, vector<1x16xf32>,
    %swap3A_247 = arith.constant 125 : i32
    %swap3A_248 = arith.index_cast %swap3A_247 : i32 to index
    %swap3A_249 = arith.constant 16 : index
    %swap3A_250 = tpu.vector_load %arg7[%swap3A_248, %swap3A_249] {strides = array<i32>} : memref<128x64xf32, #tpu.memory_space<vmem>>, vector<1x16xf32>,
    %swap3A_251 = vector.shape_cast %swap3A_250 : vector<1x16xf32> to vector<16xf32>
    %swap3A_252 = vector.shape_cast %scan3A_239#1 : vector<16xf32> to vector<1x16xf32>
    tpu.vector_store %arg7[%swap3A_248, %swap3A_249], %swap3A_252 {strides = array<i32>} : memref<128x64xf32, #tpu.memory_space<vmem>>, vector<1x16xf32>,
    %swap3A_253 = arith.constant 125 : i32
    %swap3A_254 = arith.index_cast %swap3A_253 : i32 to index
    %swap3A_255 = arith.constant 32 : index
    %swap3A_256 = tpu.vector_load %arg7[%swap3A_254, %swap3A_255] {strides = array<i32>} : memref<128x64xf32, #tpu.memory_space<vmem>>, vector<1x16xf32>,
    %swap3A_257 = vector.shape_cast %swap3A_256 : vector<1x16xf32> to vector<16xf32>
    %swap3A_258 = vector.shape_cast %scan3A_239#2 : vector<16xf32> to vector<1x16xf32>
    tpu.vector_store %arg7[%swap3A_254, %swap3A_255], %swap3A_258 {strides = array<i32>} : memref<128x64xf32, #tpu.memory_space<vmem>>, vector<1x16xf32>,
    %swap3A_259 = arith.constant 125 : i32
    %swap3A_260 = arith.index_cast %swap3A_259 : i32 to index
    %swap3A_261 = arith.constant 48 : index
    %swap3A_262 = tpu.vector_load %arg7[%swap3A_260, %swap3A_261] {strides = array<i32>} : memref<128x64xf32, #tpu.memory_space<vmem>>, vector<1x16xf32>,
    %swap3A_263 = vector.shape_cast %swap3A_262 : vector<1x16xf32> to vector<16xf32>
    %swap3A_264 = vector.shape_cast %scan3A_239#3 : vector<16xf32> to vector<1x16xf32>
    tpu.vector_store %arg7[%swap3A_260, %swap3A_261], %swap3A_264 {strides = array<i32>} : memref<128x64xf32, #tpu.memory_space<vmem>>, vector<1x16xf32>,
    %dma_wait3A_265 = arith.constant 0 : i32
    %dma_wait3A_266 = arith.constant 0 : i32
    %dma_wait3A_267 = arith.constant 0 : i32
    %dma_wait3A_268 = tpu.memref_slice %arg6[%dma_wait3A_265, %dma_wait3A_266, %dma_wait3A_267] : memref<3x200x128xf32, #tpu.memory_space<vmem>> -> memref<1x200x128xf32, #tpu.memory_space<vmem>>
    %dma_wait3A_269 = tpu.memref_squeeze %dma_wait3A_268 : memref<1x200x128xf32, #tpu.memory_space<vmem>> -> memref<200x128xf32, #tpu.memory_space<vmem>>
    %dma_wait3A_270 = arith.constant 0 : i32
    %dma_wait3A_271 = arith.constant 0 : i32
    %dma_wait3A_272 = tpu.memref_slice %arg3[%dma_wait3A_270, %dma_wait3A_271] : memref<1000000x128xf32, #tpu.memory_space<hbm>> -> memref<200x128xf32, #tpu.memory_space<hbm>>
    %dma_wait3A_273 = arith.constant 0 : i32
    %dma_wait3A_274 = arith.constant 0 : i32
    %dma_wait3A_275 = tpu.memref_slice %arg6[%dma_wait3A_265, %dma_wait3A_273, %dma_wait3A_274] : memref<3x200x128xf32, #tpu.memory_space<vmem>> -> memref<1x200x128xf32, #tpu.memory_space<vmem>>
    %dma_wait3A_276 = tpu.memref_squeeze %dma_wait3A_275 : memref<1x200x128xf32, #tpu.memory_space<vmem>> -> memref<200x128xf32, #tpu.memory_space<vmem>>
    %dma_wait3A_277 = arith.constant 0 : i32
    %dma_wait3A_278 = arith.constant 0 : i32
    %dma_wait3A_279 = tpu.memref_slice %arg3[%dma_wait3A_277, %dma_wait3A_278] : memref<1000000x128xf32, #tpu.memory_space<hbm>> -> memref<200x128xf32, #tpu.memory_space<hbm>>
    tpu.wait_dma2 semaphore(%arg8 : memref<!tpu.dma_semaphore, #tpu.memory_space<semaphore_mem>>) src(%dma_wait3A_279 : memref<200x128xf32, #tpu.memory_space<hbm>>) dst(%dma_wait3A_276 : memref<200x128xf32, #tpu.memory_space<vmem>>)
    %broadcast_in_dim3A_280 = arith.constant 0.000000e+00 : f32
    %broadcast_in_dim3A_281 = vector.broadcast %broadcast_in_dim3A_280 : f32 to vector<16xf32>
    %scan3A_282 = arith.constant 0 : i32
    %scan3A_283 = arith.constant 200 : i32
    %scan3A_284 = arith.addi %scan3A_282, %scan3A_283 : i32
    %scan3A_285 = arith.constant 1 : i32
    %scan3A_286:4 = scf.for %scan3A_359 = %scan3A_282 to %scan3A_284 step %scan3A_285 iter_args(%scan3A_360 = %broadcast_in_dim3A_281, %scan3A_361 = %broadcast_in_dim3A_281, %scan3A_362 = %broadcast_in_dim3A_281, %scan3A_363 = %broadcast_in_dim3A_281) -> (vector<16xf32>, vector<16xf32>, vector<16xf32>, vector<16xf32>)  : i32 {
      %get3A = arith.constant 0 : i32
      %get3A_364 = arith.index_cast %get3A : i32 to index
      %get3A_365 = arith.index_cast %scan3A_359 : i32 to index
      %get3A_366 = arith.constant 0 : index
      %get3A_367 = tpu.vector_load %arg6[%get3A_364, %get3A_365, %get3A_366] {strides = array<i32>} : memref<3x200x128xf32, #tpu.memory_space<vmem>>, vector<1x1x16xf32>,
      %get3A_368 = vector.shape_cast %get3A_367 : vector<1x1x16xf32> to vector<16xf32>
      %add3A_369 = arith.addf %scan3A_360, %get3A_368 : vector<16xf32>
      %get3A_370 = arith.constant 0 : i32
      %get3A_371 = arith.index_cast %get3A_370 : i32 to index
      %get3A_372 = arith.index_cast %scan3A_359 : i32 to index
      %get3A_373 = arith.constant 16 : index
      %get3A_374 = tpu.vector_load %arg6[%get3A_371, %get3A_372, %get3A_373] {strides = array<i32>} : memref<3x200x128xf32, #tpu.memory_space<vmem>>, vector<1x1x16xf32>,
      %get3A_375 = vector.shape_cast %get3A_374 : vector<1x1x16xf32> to vector<16xf32>
      %add3A_376 = arith.addf %scan3A_361, %get3A_375 : vector<16xf32>
      %get3A_377 = arith.constant 0 : i32
      %get3A_378 = arith.index_cast %get3A_377 : i32 to index
      %get3A_379 = arith.index_cast %scan3A_359 : i32 to index
      %get3A_380 = arith.constant 32 : index
      %get3A_381 = tpu.vector_load %arg6[%get3A_378, %get3A_379, %get3A_380] {strides = array<i32>} : memref<3x200x128xf32, #tpu.memory_space<vmem>>, vector<1x1x16xf32>,
      %get3A_382 = vector.shape_cast %get3A_381 : vector<1x1x16xf32> to vector<16xf32>
      %add3A_383 = arith.addf %scan3A_362, %get3A_382 : vector<16xf32>
      %get3A_384 = arith.constant 0 : i32
      %get3A_385 = arith.index_cast %get3A_384 : i32 to index
      %get3A_386 = arith.index_cast %scan3A_359 : i32 to index
      %get3A_387 = arith.constant 48 : index
      %get3A_388 = tpu.vector_load %arg6[%get3A_385, %get3A_386, %get3A_387] {strides = array<i32>} : memref<3x200x128xf32, #tpu.memory_space<vmem>>, vector<1x1x16xf32>,
      %get3A_389 = vector.shape_cast %get3A_388 : vector<1x1x16xf32> to vector<16xf32>
      %add3A_390 = arith.addf %scan3A_363, %get3A_389 : vector<16xf32>
      scf.yield %add3A_369, %add3A_376, %add3A_383, %add3A_390 : vector<16xf32>, vector<16xf32>, vector<16xf32>, vector<16xf32>
    }
    %scan3A_287 = arith.constant 200 : i32
    %swap3A_288 = arith.constant 126 : i32
    %swap3A_289 = arith.index_cast %swap3A_288 : i32 to index
    %swap3A_290 = arith.constant 0 : index
    %swap3A_291 = tpu.vector_load %arg7[%swap3A_289, %swap3A_290] {strides = array<i32>} : memref<128x64xf32, #tpu.memory_space<vmem>>, vector<1x16xf32>,
    %swap3A_292 = vector.shape_cast %swap3A_291 : vector<1x16xf32> to vector<16xf32>
    %swap3A_293 = vector.shape_cast %scan3A_286#0 : vector<16xf32> to vector<1x16xf32>
    tpu.vector_store %arg7[%swap3A_289, %swap3A_290], %swap3A_293 {strides = array<i32>} : memref<128x64xf32, #tpu.memory_space<vmem>>, vector<1x16xf32>,
    %swap3A_294 = arith.constant 126 : i32
    %swap3A_295 = arith.index_cast %swap3A_294 : i32 to index
    %swap3A_296 = arith.constant 16 : index
    %swap3A_297 = tpu.vector_load %arg7[%swap3A_295, %swap3A_296] {strides = array<i32>} : memref<128x64xf32, #tpu.memory_space<vmem>>, vector<1x16xf32>,
    %swap3A_298 = vector.shape_cast %swap3A_297 : vector<1x16xf32> to vector<16xf32>
    %swap3A_299 = vector.shape_cast %scan3A_286#1 : vector<16xf32> to vector<1x16xf32>
    tpu.vector_store %arg7[%swap3A_295, %swap3A_296], %swap3A_299 {strides = array<i32>} : memref<128x64xf32, #tpu.memory_space<vmem>>, vector<1x16xf32>,
    %swap3A_300 = arith.constant 126 : i32
    %swap3A_301 = arith.index_cast %swap3A_300 : i32 to index
    %swap3A_302 = arith.constant 32 : index
    %swap3A_303 = tpu.vector_load %arg7[%swap3A_301, %swap3A_302] {strides = array<i32>} : memref<128x64xf32, #tpu.memory_space<vmem>>, vector<1x16xf32>,
    %swap3A_304 = vector.shape_cast %swap3A_303 : vector<1x16xf32> to vector<16xf32>
    %swap3A_305 = vector.shape_cast %scan3A_286#2 : vector<16xf32> to vector<1x16xf32>
    tpu.vector_store %arg7[%swap3A_301, %swap3A_302], %swap3A_305 {strides = array<i32>} : memref<128x64xf32, #tpu.memory_space<vmem>>, vector<1x16xf32>,
    %swap3A_306 = arith.constant 126 : i32
    %swap3A_307 = arith.index_cast %swap3A_306 : i32 to index
    %swap3A_308 = arith.constant 48 : index
    %swap3A_309 = tpu.vector_load %arg7[%swap3A_307, %swap3A_308] {strides = array<i32>} : memref<128x64xf32, #tpu.memory_space<vmem>>, vector<1x16xf32>,
    %swap3A_310 = vector.shape_cast %swap3A_309 : vector<1x16xf32> to vector<16xf32>
    %swap3A_311 = vector.shape_cast %scan3A_286#3 : vector<16xf32> to vector<1x16xf32>
    tpu.vector_store %arg7[%swap3A_307, %swap3A_308], %swap3A_311 {strides = array<i32>} : memref<128x64xf32, #tpu.memory_space<vmem>>, vector<1x16xf32>,
    %dma_wait3A_312 = arith.constant 1 : i32
    %dma_wait3A_313 = arith.constant 0 : i32
    %dma_wait3A_314 = arith.constant 0 : i32
    %dma_wait3A_315 = tpu.memref_slice %arg6[%dma_wait3A_312, %dma_wait3A_313, %dma_wait3A_314] : memref<3x200x128xf32, #tpu.memory_space<vmem>> -> memref<1x200x128xf32, #tpu.memory_space<vmem>>
    %dma_wait3A_316 = tpu.memref_squeeze %dma_wait3A_315 : memref<1x200x128xf32, #tpu.memory_space<vmem>> -> memref<200x128xf32, #tpu.memory_space<vmem>>
    %dma_wait3A_317 = arith.constant 0 : i32
    %dma_wait3A_318 = arith.constant 0 : i32
    %dma_wait3A_319 = tpu.memref_slice %arg3[%dma_wait3A_317, %dma_wait3A_318] : memref<1000000x128xf32, #tpu.memory_space<hbm>> -> memref<200x128xf32, #tpu.memory_space<hbm>>
    %dma_wait3A_320 = arith.constant 0 : i32
    %dma_wait3A_321 = arith.constant 0 : i32
    %dma_wait3A_322 = tpu.memref_slice %arg6[%dma_wait3A_312, %dma_wait3A_320, %dma_wait3A_321] : memref<3x200x128xf32, #tpu.memory_space<vmem>> -> memref<1x200x128xf32, #tpu.memory_space<vmem>>
    %dma_wait3A_323 = tpu.memref_squeeze %dma_wait3A_322 : memref<1x200x128xf32, #tpu.memory_space<vmem>> -> memref<200x128xf32, #tpu.memory_space<vmem>>
    %dma_wait3A_324 = arith.constant 0 : i32
    %dma_wait3A_325 = arith.constant 0 : i32
    %dma_wait3A_326 = tpu.memref_slice %arg3[%dma_wait3A_324, %dma_wait3A_325] : memref<1000000x128xf32, #tpu.memory_space<hbm>> -> memref<200x128xf32, #tpu.memory_space<hbm>>
    tpu.wait_dma2 semaphore(%arg9 : memref<!tpu.dma_semaphore, #tpu.memory_space<semaphore_mem>>) src(%dma_wait3A_326 : memref<200x128xf32, #tpu.memory_space<hbm>>) dst(%dma_wait3A_323 : memref<200x128xf32, #tpu.memory_space<vmem>>)
    %broadcast_in_dim3A_327 = arith.constant 0.000000e+00 : f32
    %broadcast_in_dim3A_328 = vector.broadcast %broadcast_in_dim3A_327 : f32 to vector<16xf32>
    %scan3A_329 = arith.constant 0 : i32
    %scan3A_330 = arith.constant 200 : i32
    %scan3A_331 = arith.addi %scan3A_329, %scan3A_330 : i32
    %scan3A_332 = arith.constant 1 : i32
    %scan3A_333:4 = scf.for %scan3A_359 = %scan3A_329 to %scan3A_331 step %scan3A_332 iter_args(%scan3A_360 = %broadcast_in_dim3A_328, %scan3A_361 = %broadcast_in_dim3A_328, %scan3A_362 = %broadcast_in_dim3A_328, %scan3A_363 = %broadcast_in_dim3A_328) -> (vector<16xf32>, vector<16xf32>, vector<16xf32>, vector<16xf32>)  : i32 {
      %get3A = arith.constant 1 : i32
      %get3A_364 = arith.index_cast %get3A : i32 to index
      %get3A_365 = arith.index_cast %scan3A_359 : i32 to index
      %get3A_366 = arith.constant 0 : index
      %get3A_367 = tpu.vector_load %arg6[%get3A_364, %get3A_365, %get3A_366] {strides = array<i32>} : memref<3x200x128xf32, #tpu.memory_space<vmem>>, vector<1x1x16xf32>,
      %get3A_368 = vector.shape_cast %get3A_367 : vector<1x1x16xf32> to vector<16xf32>
      %add3A_369 = arith.addf %scan3A_360, %get3A_368 : vector<16xf32>
      %get3A_370 = arith.constant 1 : i32
      %get3A_371 = arith.index_cast %get3A_370 : i32 to index
      %get3A_372 = arith.index_cast %scan3A_359 : i32 to index
      %get3A_373 = arith.constant 16 : index
      %get3A_374 = tpu.vector_load %arg6[%get3A_371, %get3A_372, %get3A_373] {strides = array<i32>} : memref<3x200x128xf32, #tpu.memory_space<vmem>>, vector<1x1x16xf32>,
      %get3A_375 = vector.shape_cast %get3A_374 : vector<1x1x16xf32> to vector<16xf32>
      %add3A_376 = arith.addf %scan3A_361, %get3A_375 : vector<16xf32>
      %get3A_377 = arith.constant 1 : i32
      %get3A_378 = arith.index_cast %get3A_377 : i32 to index
      %get3A_379 = arith.index_cast %scan3A_359 : i32 to index
      %get3A_380 = arith.constant 32 : index
      %get3A_381 = tpu.vector_load %arg6[%get3A_378, %get3A_379, %get3A_380] {strides = array<i32>} : memref<3x200x128xf32, #tpu.memory_space<vmem>>, vector<1x1x16xf32>,
      %get3A_382 = vector.shape_cast %get3A_381 : vector<1x1x16xf32> to vector<16xf32>
      %add3A_383 = arith.addf %scan3A_362, %get3A_382 : vector<16xf32>
      %get3A_384 = arith.constant 1 : i32
      %get3A_385 = arith.index_cast %get3A_384 : i32 to index
      %get3A_386 = arith.index_cast %scan3A_359 : i32 to index
      %get3A_387 = arith.constant 48 : index
      %get3A_388 = tpu.vector_load %arg6[%get3A_385, %get3A_386, %get3A_387] {strides = array<i32>} : memref<3x200x128xf32, #tpu.memory_space<vmem>>, vector<1x1x16xf32>,
      %get3A_389 = vector.shape_cast %get3A_388 : vector<1x1x16xf32> to vector<16xf32>
      %add3A_390 = arith.addf %scan3A_363, %get3A_389 : vector<16xf32>
      scf.yield %add3A_369, %add3A_376, %add3A_383, %add3A_390 : vector<16xf32>, vector<16xf32>, vector<16xf32>, vector<16xf32>
    }
    %scan3A_334 = arith.constant 200 : i32
    %swap3A_335 = arith.constant 127 : i32
    %swap3A_336 = arith.index_cast %swap3A_335 : i32 to index
    %swap3A_337 = arith.constant 0 : index
    %swap3A_338 = tpu.vector_load %arg7[%swap3A_336, %swap3A_337] {strides = array<i32>} : memref<128x64xf32, #tpu.memory_space<vmem>>, vector<1x16xf32>,
    %swap3A_339 = vector.shape_cast %swap3A_338 : vector<1x16xf32> to vector<16xf32>
    %swap3A_340 = vector.shape_cast %scan3A_333#0 : vector<16xf32> to vector<1x16xf32>
    tpu.vector_store %arg7[%swap3A_336, %swap3A_337], %swap3A_340 {strides = array<i32>} : memref<128x64xf32, #tpu.memory_space<vmem>>, vector<1x16xf32>,
    %swap3A_341 = arith.constant 127 : i32
    %swap3A_342 = arith.index_cast %swap3A_341 : i32 to index
    %swap3A_343 = arith.constant 16 : index
    %swap3A_344 = tpu.vector_load %arg7[%swap3A_342, %swap3A_343] {strides = array<i32>} : memref<128x64xf32, #tpu.memory_space<vmem>>, vector<1x16xf32>,
    %swap3A_345 = vector.shape_cast %swap3A_344 : vector<1x16xf32> to vector<16xf32>
    %swap3A_346 = vector.shape_cast %scan3A_333#1 : vector<16xf32> to vector<1x16xf32>
    tpu.vector_store %arg7[%swap3A_342, %swap3A_343], %swap3A_346 {strides = array<i32>} : memref<128x64xf32, #tpu.memory_space<vmem>>, vector<1x16xf32>,
    %swap3A_347 = arith.constant 127 : i32
    %swap3A_348 = arith.index_cast %swap3A_347 : i32 to index
    %swap3A_349 = arith.constant 32 : index
    %swap3A_350 = tpu.vector_load %arg7[%swap3A_348, %swap3A_349] {strides = array<i32>} : memref<128x64xf32, #tpu.memory_space<vmem>>, vector<1x16xf32>,
    %swap3A_351 = vector.shape_cast %swap3A_350 : vector<1x16xf32> to vector<16xf32>
    %swap3A_352 = vector.shape_cast %scan3A_333#2 : vector<16xf32> to vector<1x16xf32>
    tpu.vector_store %arg7[%swap3A_348, %swap3A_349], %swap3A_352 {strides = array<i32>} : memref<128x64xf32, #tpu.memory_space<vmem>>, vector<1x16xf32>,
    %swap3A_353 = arith.constant 127 : i32
    %swap3A_354 = arith.index_cast %swap3A_353 : i32 to index
    %swap3A_355 = arith.constant 48 : index
    %swap3A_356 = tpu.vector_load %arg7[%swap3A_354, %swap3A_355] {strides = array<i32>} : memref<128x64xf32, #tpu.memory_space<vmem>>, vector<1x16xf32>,
    %swap3A_357 = vector.shape_cast %swap3A_356 : vector<1x16xf32> to vector<16xf32>
    %swap3A_358 = vector.shape_cast %scan3A_333#3 : vector<16xf32> to vector<1x16xf32>
    tpu.vector_store %arg7[%swap3A_354, %swap3A_355], %swap3A_358 {strides = array<i32>} : memref<128x64xf32, #tpu.memory_space<vmem>>, vector<1x16xf32>,
    "tpu.region"() ({
      %run_scoped3A = tpu.sem_alloc : memref<!tpu.dma_semaphore, #tpu.memory_space<semaphore_mem>>
      %dma_start3A_359 = arith.constant 0 : i32
      %dma_start3A_360 = tpu.memref_slice %arg4[%mul3A_2, %dma_start3A_359] : memref<4096x64xf32, #tpu.memory_space<hbm>> -> memref<128x64xf32, #tpu.memory_space<hbm>>
      %dma_start3A_361 = arith.constant 0 : i32
      %dma_start3A_362 = tpu.memref_slice %arg4[%mul3A_2, %dma_start3A_361] : memref<4096x64xf32, #tpu.memory_space<hbm>> -> memref<128x64xf32, #tpu.memory_space<hbm>>
      tpu.enqueue_dma source(%arg7 : memref<128x64xf32, #tpu.memory_space<vmem>>) target(%dma_start3A_362 : memref<128x64xf32, #tpu.memory_space<hbm>>) target_semaphore(%run_scoped3A : memref<!tpu.dma_semaphore, #tpu.memory_space<semaphore_mem>>)
      %dma_wait3A_363 = arith.constant 0 : i32
      %dma_wait3A_364 = tpu.memref_slice %arg4[%mul3A_2, %dma_wait3A_363] : memref<4096x64xf32, #tpu.memory_space<hbm>> -> memref<128x64xf32, #tpu.memory_space<hbm>>
      %dma_wait3A_365 = arith.constant 0 : i32
      %dma_wait3A_366 = tpu.memref_slice %arg4[%mul3A_2, %dma_wait3A_365] : memref<4096x64xf32, #tpu.memory_space<hbm>> -> memref<128x64xf32, #tpu.memory_space<hbm>>
      tpu.wait_dma2 semaphore(%run_scoped3A : memref<!tpu.dma_semaphore, #tpu.memory_space<semaphore_mem>>) src(%arg7 : memref<128x64xf32, #tpu.memory_space<vmem>>) dst(%dma_wait3A_366 : memref<128x64xf32, #tpu.memory_space<hbm>>)
      tpu.yield
    }) : () -> ()
    return
  }
}

module attributes {stable_mosaic.version = 14 : i64} {
  func.func @_transpose_body(%arg0: i32, %arg1: memref<64x8192xf32, #tpu.memory_space<vmem>>, %arg2: memref<8192x128xf32, #tpu.memory_space<vmem>>) attributes {dimension_semantics = [#tpu.dimension_semantics<arbitrary>], iteration_bounds = array<i64: 123>, scalar_prefetch = 0 : i64, scratch_operands = 0 : i64, tpu.core_type = #tpu.core_type<tc>, window_params = [{transform_indices = @transform_0, window_bounds = array<i64: 64, 8192>}, {transform_indices = @transform_1, window_bounds = array<i64: 8192, 128>}]} {
    %get3A = arith.constant 0 : index
    %get3A_0 = arith.constant 0 : index
    %get3A_1 = vector.load %arg1[%get3A, %get3A_0] : memref<64x8192xf32, #tpu.memory_space<vmem>>, vector<64x8192xf32>
    %transpose3A = tpu.transpose %get3A_1, [1, 0] : vector<64x8192xf32> -> vector<8192x64xf32>
    %broadcast_in_dim3A = arith.constant 0.000000e+00 : f32
    %broadcast_in_dim3A_2 = vector.broadcast %broadcast_in_dim3A : f32 to vector<8192x64xf32>
    %concatenate3A = tpu.concatenate %transpose3A, %broadcast_in_dim3A_2 in 1 : vector<8192x64xf32>, vector<8192x64xf32> -> vector<8192x128xf32>
    %swap3A = arith.constant 0 : index
    %swap3A_3 = arith.constant 0 : index
    %swap3A_4 = vector.load %arg2[%swap3A, %swap3A_3] : memref<8192x128xf32, #tpu.memory_space<vmem>>, vector<8192x128xf32>
    tpu.vector_store %arg2[%swap3A, %swap3A_3], %concatenate3A {strides = array<i32>} : memref<8192x128xf32, #tpu.memory_space<vmem>>, vector<8192x128xf32>,
    return
  }
  func.func @transform_0(%arg0: i32) -> (i32, i32) {
    %c0_i32 = arith.constant 0 : i32
    %c0_i32_0 = arith.constant 0 : i32
    return %c0_i32, %arg0 : i32, i32
  }
  func.func @transform_1(%arg0: i32) -> (i32, i32) {
    %c0_i32 = arith.constant 0 : i32
    %c0_i32_0 = arith.constant 0 : i32
    return %arg0, %c0_i32 : i32, i32
  }
}

module attributes {stable_mosaic.version = 14 : i64} {
  func.func @_mlp_body(%arg0: i32, %arg1: memref<512x64xf32, #tpu.memory_space<vmem>>, %arg2: memref<512x1xf32, #tpu.memory_space<vmem>>, %arg3: memref<128x64xf32, #tpu.memory_space<vmem>>, %arg4: memref<1x128xf32, #tpu.memory_space<vmem>>, %arg5: memref<1000x128xf32, #tpu.memory_space<vmem>>, %arg6: memref<1x1000xf32, #tpu.memory_space<vmem>>, %arg7: memref<512x1000xf32, #tpu.memory_space<vmem>>) attributes {dimension_semantics = [#tpu.dimension_semantics<arbitrary>], iteration_bounds = array<i64: 8>, scalar_prefetch = 0 : i64, scratch_operands = 0 : i64, tpu.core_type = #tpu.core_type<tc>, window_params = [{transform_indices = @transform_0, window_bounds = array<i64: 512, 64>}, {transform_indices = @transform_1, window_bounds = array<i64: 512, 1>}, {pipeline_mode = #tpu.pipeline_mode<synchronous>, transform_indices = @transform_2, window_bounds = array<i64: 128, 64>}, {pipeline_mode = #tpu.pipeline_mode<synchronous>, transform_indices = @transform_3, window_bounds = array<i64: 1, 128>}, {pipeline_mode = #tpu.pipeline_mode<synchronous>, transform_indices = @transform_4, window_bounds = array<i64: 1000, 128>}, {pipeline_mode = #tpu.pipeline_mode<synchronous>, transform_indices = @transform_5, window_bounds = array<i64: 1, 1000>}, {transform_indices = @transform_6, window_bounds = array<i64: 512, 1000>}]} {
    %get3A = arith.constant 0 : index
    %get3A_0 = arith.constant 0 : index
    %get3A_1 = vector.load %arg1[%get3A, %get3A_0] : memref<512x64xf32, #tpu.memory_space<vmem>>, vector<512x64xf32>
    %get3A_2 = arith.constant 0 : index
    %get3A_3 = arith.constant 0 : index
    %get3A_4 = vector.load %arg2[%get3A_2, %get3A_3] : memref<512x1xf32, #tpu.memory_space<vmem>>, vector<512x1xf32>
    %div3A = vector.broadcast %get3A_4 : vector<512x1xf32> to vector<512x64xf32>
    %div3A_5 = arith.divf %get3A_1, %div3A : vector<512x64xf32>
    %get3A_6 = arith.constant 0 : index
    %get3A_7 = arith.constant 0 : index
    %get3A_8 = vector.load %arg3[%get3A_6, %get3A_7] : memref<128x64xf32, #tpu.memory_space<vmem>>, vector<128x64xf32>
    %dot_general3A = arith.constant dense<0.000000e+00> : vector<512x128xf32>
    %dot_general3A_9 = tpu.matmul %div3A_5, %get3A_8, %dot_general3A {dimension_numbers = #tpu.dot_dimension_numbers<[1], [1], [0], [0], [0, 0, 1, 0], [], []>, transpose_lhs_hint = false} : vector<512x64xf32>, vector<128x64xf32>, vector<512x128xf32> -> vector<512x128xf32>
    %get3A_10 = arith.constant 0 : index
    %get3A_11 = arith.constant 0 : index
    %get3A_12 = vector.load %arg4[%get3A_10, %get3A_11] : memref<1x128xf32, #tpu.memory_space<vmem>>, vector<1x128xf32>
    %add3A = vector.broadcast %get3A_12 : vector<1x128xf32> to vector<512x128xf32>
    %add3A_13 = arith.addf %dot_general3A_9, %add3A : vector<512x128xf32>
    %max3A = arith.constant 0.000000e+00 : f32
    %max3A_14 = vector.broadcast %max3A : f32 to vector<512x128xf32>
    %max3A_15 = arith.maximumf %add3A_13, %max3A_14 : vector<512x128xf32>
    %get3A_16 = arith.constant 0 : index
    %get3A_17 = arith.constant 0 : index
    %get3A_18 = vector.load %arg5[%get3A_16, %get3A_17] : memref<1000x128xf32, #tpu.memory_space<vmem>>, vector<1000x128xf32>
    %dot_general3A_19 = arith.constant dense<0.000000e+00> : vector<512x1000xf32>
    %dot_general3A_20 = tpu.matmul %max3A_15, %get3A_18, %dot_general3A_19 {dimension_numbers = #tpu.dot_dimension_numbers<[1], [1], [0], [0], [0, 0, 1, 0], [], []>, transpose_lhs_hint = false} : vector<512x128xf32>, vector<1000x128xf32>, vector<512x1000xf32> -> vector<512x1000xf32>
    %get3A_21 = arith.constant 0 : index
    %get3A_22 = arith.constant 0 : index
    %get3A_23 = vector.load %arg6[%get3A_21, %get3A_22] : memref<1x1000xf32, #tpu.memory_space<vmem>>, vector<1x1000xf32>
    %add3A_24 = vector.broadcast %get3A_23 : vector<1x1000xf32> to vector<512x1000xf32>
    %add3A_25 = arith.addf %dot_general3A_20, %add3A_24 : vector<512x1000xf32>
    %swap3A = arith.constant 0 : index
    %swap3A_26 = arith.constant 0 : index
    %swap3A_27 = vector.load %arg7[%swap3A, %swap3A_26] : memref<512x1000xf32, #tpu.memory_space<vmem>>, vector<512x1000xf32>
    tpu.vector_store %arg7[%swap3A, %swap3A_26], %add3A_25 {strides = array<i32>} : memref<512x1000xf32, #tpu.memory_space<vmem>>, vector<512x1000xf32>,
    return
  }
  func.func @transform_0(%arg0: i32) -> (i32, i32) {
    %c0_i32 = arith.constant 0 : i32
    %c0_i32_0 = arith.constant 0 : i32
    return %arg0, %c0_i32 : i32, i32
  }
  func.func @transform_1(%arg0: i32) -> (i32, i32) {
    %c0_i32 = arith.constant 0 : i32
    %c0_i32_0 = arith.constant 0 : i32
    return %arg0, %c0_i32 : i32, i32
  }
  func.func @transform_2(%arg0: i32) -> (i32, i32) {
    %c0_i32 = arith.constant 0 : i32
    %c0_i32_0 = arith.constant 0 : i32
    %c0_i32_1 = arith.constant 0 : i32
    return %c0_i32, %c0_i32_0 : i32, i32
  }
  func.func @transform_3(%arg0: i32) -> (i32, i32) {
    %c0_i32 = arith.constant 0 : i32
    %c0_i32_0 = arith.constant 0 : i32
    %c0_i32_1 = arith.constant 0 : i32
    return %c0_i32, %c0_i32_0 : i32, i32
  }
  func.func @transform_4(%arg0: i32) -> (i32, i32) {
    %c0_i32 = arith.constant 0 : i32
    %c0_i32_0 = arith.constant 0 : i32
    %c0_i32_1 = arith.constant 0 : i32
    return %c0_i32, %c0_i32_0 : i32, i32
  }
  func.func @transform_5(%arg0: i32) -> (i32, i32) {
    %c0_i32 = arith.constant 0 : i32
    %c0_i32_0 = arith.constant 0 : i32
    %c0_i32_1 = arith.constant 0 : i32
    return %c0_i32, %c0_i32_0 : i32, i32
  }
  func.func @transform_6(%arg0: i32) -> (i32, i32) {
    %c0_i32 = arith.constant 0 : i32
    %c0_i32_0 = arith.constant 0 : i32
    return %arg0, %c0_i32 : i32, i32
  }
}

</mosaic_0001>

<sc_bundles>
// kernel: kernel.5.cloned.1.call-start
scs
__scs_entry_jumppad:
0x0: {  	(pc) =	sbr.rel $0x88, $3  }
0x1: {  	(tag) =	ssettag $0x0;
	lr =	simm.s32 $0x1  }
0x2: {  	[smem:$0x3F9A] =	sst lr;
	_ =	strace $0xD0000000  }
0x3: {  	_ = 	snop  }
0x4: {  	_ = 	snop  }
0x5: {  	_ = 	snop  }
0x6: {  	_ = 	snop  }
0x7: {  	_ = 	snop  }
__scs_overlays_trampoline_lowered:
0x8: {  	[smem:$0x3FA9] =	sst s0  }
0x9: {  	[smem:$0x3FAA] =	sst s1  }
0xa: {  	[smem:$0x3FAB] =	sst s2  }
0xb: {  	[smem:$0x3FAC] =	sst s3  }
0xc: {  	[smem:$0x3FAD] =	sst s4  }
0xd: {  	[smem:$0x3FAE] =	sst s5  }
0xe: {  	[smem:$0x3FAF] =	sst s6  }
0xf: {  	[smem:$0x3FB0] =	sst s7  }
0x10: {  	[smem:$0x3FB1] =	sst s8  }
0x11: {  	[smem:$0x3FB2] =	sst s9;
	s0 =	simm.s32 @!p0 $0x0  }
0x12: {  	s1 =	sld [smem:$0x3F98];
	s0 =	simm.s32 @p0 $0x1  }
0x13: {  	[smem:$0x3FB3] =	sst s0;
	s0 =	simm.s32 @!p1 $0x0  }
0x14: {  	s2 =	sld [smem:$0x3F97];
	s0 =	simm.s32 @p1 $0x1  }
0x15: {  	[smem:$0x3FB4] =	sst s0;
	s0 =	simm.s32 @!p2 $0x0  }
0x16: {  	s3 =	sld [smem:$0x3FDB];
	s0 =	simm.s32 @p2 $0x1  }
0x17: {  	s4 =	simm.s32 $0x1BF5;
	[smem:$0x3FB6] =	sst s0  }
0x18: {  	s0 =	sld [smem:$0x3F99];
	_ =	swait.ge [sflag:s4], $0x0  }
0x19: {  	s7 =	sld [smem:$0x3F9A]  }
0x1a: {  	s8 =	sadd.s32 $0xFFFFE003, lr  }
0x1b: {  	s9 =	sadd.s32 $0xFFFFFEF7, lr;
	s5 =	simm.s32 $0xFFFFFFFF;
	p2 =	slt.u32 s8, $0xFFFFF086  }
0x1c: {  	p1 =	slt.u32 s9, $0xF7A;
	s5 =	simm.s32 @!p2 $0x0  }
0x1d: {  	s5 =	simm.s32 @p1 $0x1;
	p0 =	seq.s32 s7, s2  }
0x1e: {  	s7 =	smul.u32 @!p0 $0xF7A, s2;
	p2 =	seq.s32 @!p0 s5, $0x0  }
0x1f: {  	s9 =	smul.u32 $0xF7A, s1;
	s8 =	simm.s32 @!p0 $0x1BF5;
	p2 =	por !p2, p0  }
0x20: {  	[sflag:s8] =	ssyncset.s32 @!p0 $0xFFFFF086;
	s6 =	sadd.s32 @!p0 s3, s7;
	s7 =	simm.s32 @!p0 $0x108  }
0x21: {  	s3 =	sadd.s32 s3, s9;
	s6 =	sadd.s32 @!p0 $0x88, s6;
	s7 =	simm.s32 @p2 $0x1082  }
0x22: {  	[simem:s7], [sflag:s8] =	dma.local @!p0 [hbm:s6], $0xF7A  }
0x23: {  	s9 =	sor.u32 $0xD0000000, s2;
	s6 =	simm.s32 $0x108;
	_ =	swait.ge @!p0 [sflag:s8], $0x0  }
0x24: {  	s3 =	sadd.s32 $0x88, s3;
	s6 =	simm.s32 @!p1 $0x1082;
	[sflag:s4] =	ssyncset.s32 $0xFFFFF086  }
0x25: {  	[simem:s6], [sflag:s4] =	dma.local [hbm:s3], $0xF7A  }
0x26: {  	[smem:$0x3F9A] =	sst s1;
	(tag) =	ssettag s2;
	_ =	strace s9  }
0x27: {  	s1 =	sld [smem:$0x3FAA]  }
0x28: {  	s2 =	sld [smem:$0x3FAB]  }
0x29: {  	s4 =	sld [smem:$0x3FAD]  }
0x2a: {  	p0 =	seq.s32 s5, $0x0;
	s5 =	sld [smem:$0x3FAE]  }
0x2b: {  	s6 =	sld [smem:$0x3FAF]  }
0x2c: {  	s7 =	sld [smem:$0x3FB0]  }
0x2d: {  	s3 =	simm.s32 $0x108;
	s8 =	sld [smem:$0x3FB1]  }
0x2e: {  	s3 =	simm.s32 @!p0 $0x1082;
	s9 =	sld [smem:$0x3FB2]  }
0x2f: {  	lr =	sadd.s32 s0, s3;
	s0 =	sld [smem:$0x3FA9]  }
0x30: {  	s3 =	sld [smem:$0x3FAC]  }
0x31: {  	[smem:$0x3FB5] =	sst s10  }
0x32: {  	s10 =	sld [smem:$0x3FB3];
	_ =	sdelay $0x3  }
0x33: {  	p0 =	seq.s32 s10, $0x1;
	s10 =	sld [smem:$0x3FB5];
	_ =	sdelay $0x3  }
0x34: {  	[smem:$0x3FB5] =	sst s10  }
0x35: {  	s10 =	sld [smem:$0x3FB4];
	_ =	sdelay $0x3  }
0x36: {  	p1 =	seq.s32 s10, $0x1;
	s10 =	sld [smem:$0x3FB5];
	_ =	sdelay $0x3  }
0x37: {  	[smem:$0x3FB5] =	sst s10  }
0x38: {  	s10 =	sld [smem:$0x3FB6]  }
0x39: {  	_ = 	snop;
	(pc) =	sbr.ind lr, $3  }
0x3a: {  	_ = 	snop  }
0x3b: {  	_ = 	snop  }
0x3c: {  	p2 =	seq.s32 s10, $0x1;
	s10 =	sld [smem:$0x3FB5]  }
0x3d: {  	_ =	shalt  }
0x3e: {  	_ =	shalt  }
0x3f: {  	_ =	shalt  }
0x40: {  	_ =	shalt  }
0x41: {  	_ =	shalt  }
0x42: {  	_ =	shalt  }
0x43: {  	_ =	shalt  }
0x44: {  	_ =	shalt  }
0x45: {  	_ =	shalt  }
0x46: {  	_ =	shalt  }
0x47: {  	_ =	shalt  }
0x48: {  	_ =	shalt  }
0x49: {  	_ =	shalt  }
0x4a: {  	_ =	shalt  }
0x4b: {  	_ =	shalt  }
0x4c: {  	_ =	shalt  }
0x4d: {  	_ =	shalt  }
0x4e: {  	_ =	shalt  }
0x4f: {  	_ =	shalt  }
0x50: {  	_ =	shalt  }
0x51: {  	_ =	shalt  }
0x52: {  	_ =	shalt  }
0x53: {  	_ =	shalt  }
0x54: {  	_ =	shalt  }
0x55: {  	_ =	shalt  }
0x56: {  	_ =	shalt  }
0x57: {  	_ =	shalt  }
0x58: {  	_ =	shalt  }
0x59: {  	_ =	shalt  }
0x5a: {  	_ =	shalt  }
0x5b: {  	_ =	shalt  }
0x5c: {  	_ =	shalt  }
0x5d: {  	_ =	shalt  }
0x5e: {  	_ =	shalt  }
0x5f: {  	_ =	shalt  }
0x60: {  	_ =	shalt  }
0x61: {  	_ =	shalt  }
0x62: {  	_ =	shalt  }
0x63: {  	_ =	shalt  }
0x64: {  	_ =	shalt  }
0x65: {  	_ =	shalt  }
0x66: {  	_ =	shalt  }
0x67: {  	_ =	shalt  }
0x68: {  	_ =	shalt  }
0x69: {  	_ =	shalt  }
0x6a: {  	_ =	shalt  }
0x6b: {  	_ =	shalt  }
0x6c: {  	_ =	shalt  }
0x6d: {  	_ =	shalt  }
0x6e: {  	_ =	shalt  }
0x6f: {  	_ =	shalt  }
0x70: {  	_ =	shalt  }
0x71: {  	_ =	shalt  }
0x72: {  	_ =	shalt  }
0x73: {  	_ =	shalt  }
0x74: {  	_ =	shalt  }
0x75: {  	_ =	shalt  }
0x76: {  	_ =	shalt  }
0x77: {  	_ =	shalt  }
0x78: {  	_ =	shalt  }
0x79: {  	_ =	shalt  }
0x7a: {  	_ =	shalt  }
0x7b: {  	_ =	shalt  }
0x7c: {  	_ =	shalt  }
0x7d: {  	_ =	shalt  }
0x7e: {  	_ =	shalt  }
0x7f: {  	_ =	shalt  }
0x80: {  	_ =	shalt  }
0x81: {  	_ =	shalt  }
0x82: {  	_ =	shalt  }
0x83: {  	_ =	shalt  }
0x84: {  	_ =	shalt  }
0x85: {  	_ =	shalt  }
0x86: {  	_ =	shalt  }
0x87: {  	_ =	shalt  }
.Lfunc_end0:
.L_simem_size_0:
called_computation_lowered:
.L_overlay_start_0:
0x88: {  	s2 =	sld [smem:$0x3FD9]  }
0x89: {  	s3 =	sld [smem:$0x3FFE];
	_ =	sdelay $0x1  }
0x8a: {  	s1 =	srdreg.scid  }
0x8b: {  	s0 =	sand.u32 $0x1, s1  }
0x8c: {  	s17 =	sshll.u32 s0, $0xA;
	s2 =	sadd.s32 s3, s2  }
0x8d: {  	s2 =	sadd.s32 s2, s17  }
0x8e: {  	[smem:$0x3FC1] =	sst s2  }
0x8f: {  	_ = 	snop  }
0x90: {  	s2 =	sld [smem:$0x3FD0];
	(tm) =	ssettm $0x1  }
0x91: {  	s18 =	sld [smem:$0x3FFB];
	_ =	sdelay $0x3  }
0x92: {  	_ =	strace s18  }
0x93: {  	s3 =	sld [smem:$0x3FFC];
	_ =	sdelay $0x3  }
0x94: {  	_ =	strace s3  }
0x95: {  	s3 =	sld [smem:$0x3FFD];
	_ =	sdelay $0x3  }
0x96: {  	_ =	strace s3  }
0x97: {  	_ =	strace $0x8FFFFFFF  }
0x98: {  	s19 =	sld [smem:$0x3FDB];
	_ =	sdelay $0x1  }
0x99: {  	s4 =	simm.s32 $_scs_section_size  }
0x9a: {  	s5 =	simm.s32 $_size__tile_overlayer_lowered;
	s6 =	simm.s32 $_tile_overlayer_lowered  }
0x9b: {  	s22 =	simm.s32 $0x1BFF;
	s21 =	sshll.u32 s6, $0x1;
	s3 =	sadd.s32 s4, s19  }
0x9c: {  	s7 =	simm.s32 $0x0;
	s20 =	sshll.u32 s5, $0x1;
	s5 =	sadd.s32 s21, s3  }
0x9d: {  	[timem:s7], [sflag:s22] =	dma.local [hbm:s5], s20  }
0x9e: {  	_ =	swait.ge [sflag:s22], s20  }
0x9f: {  	s4 =	ssub.s32 $0x0, s20;
	[sflag:s22] =	ssyncset.done $0x0  }
0xa0: {  	[sflag:s22] =	ssyncadd.s32 s4;
	_ =	sdelay $0x1  }
0xa1: {  	s23 =	simm.s32 $0x1B8B  }
0xa2: {  	_ =	swait.ge [sflag:s23], $0x1  }
0xa3: {  	[sflag:s23] =	ssyncset.done $0x0  }
0xa4: {  	s25 =	simm.s32 $0x1B8E;
	s24 =	sld [smem:$0x3FFE];
	[sflag:s23] =	ssyncadd.s32 $0xFFFFFFFF  }
0xa5: {  	s26 =	simm.s32 $execute0_lowered;
	[smem:$0x3FD2] =	sst s25  }
0xa6: {  	s5 =	sshll.u32 s26, $0x1;
	_ =	strace $0x80000046;
	[dreg:$0x1] =	wrdreg $0xFFFFFFFF  }
0xa7: {  	s28 =	simm.s32 $_size_execute0_lowered;
	s3 =	sadd.s32 s3, s5;
	[dreg:$0x0] =	wrdreg $0x0  }
0xa8: {  	s5 =	sshll.u32 s28, $0x1;
	[dreg:$0x2] =	wrdreg s3  }
0xa9: {  	[dreg:$0x3] =	wrdreg s5  }
0xaa: {  	[dreg:$0x4] =	wrdreg $0xC0  }
0xab: {  	_ =	task [dreg:s7], $0x5FFFF  }
0xac: {  	[dreg:$0x1] =	wrdreg $0xFFFFFFFF  }
0xad: {  	[dreg:$0x0] =	wrdreg $0x60  }
0xae: {  	[dreg:$0x2] =	wrdreg s2  }
0xaf: {  	[dreg:$0x3] =	wrdreg s24  }
0xb0: {  	[dreg:$0x4] =	wrdreg $0x9  }
0xb1: {  	_ =	task.clear_ibuf [dreg:s7], $0x5FFFF;
	_ =	strace $0x90000046  }
0xb2: {  	s29 =	simm.s32 $0x9;
	_ =	strace $0x80000048  }
0xb3: {  	_ =	swait.ge [sflag:s29], $0x1  }
0xb4: {  	[sflag:s29] =	ssyncadd.s32 $0xFFFFFFFF  }
0xb5: {  	_ =	strace $0x90000048  }
0xb6: {  	_ =	sfence  }
0xb7: {  	s30 =	sld [smem:$0x0];
	_ =	sdelay $0x2  }
0xb8: {  	s31 =	sshll.u32 s1, $0xD;
	s1 =	sshrl.u32 s1, $0x2  }
0xb9: {  	s3 =	sand.u32 $0x4000, s31;
	s1 =	sadd.s32 s1, s30  }
0xba: {  	s0 =	sor.u32 s3, s0;
	s1 =	sshll.u32 s1, $0x11  }
0xbb: {  	s0 =	sor.u32 s1, s0  }
0xbc: {  	s0 =	sadd.s32 $0x8F2B, s0  }
0xbd: {  	[sflag:s0] =	ssyncadd.remote.s32 $0x1  }
0xbe: {  	_ =	sfence.sel $0xFFFF  }
0xbf: {  	[dreg:$0x0] =	wrdreg $0xFFFFFFFF;
	(pc) =	sbr.abs _section_cstart, $3  }
0xc0: {  	[dreg:$0x1] =	wrdreg $0xFFFFFFFF  }
0xc1: {  	_ =	task.clear_ibuf [dreg:s7], $0x2FFFF;
	_ =	strace $0x9FFFFFFF  }
0xc2: {  	(tm) =	ssettm $0x7FFFFFFF  }
0xc3: {  	_ =	shalt  }
tec
execute0_lowered:
.L_overlay_start_1:
0x0: {  	(tag) =	ssettag $0x1  }
0x1: {  	s0 =	rddreg [dreg:$0x0]  }
0x2: {  	s1 =	rddreg [dreg:$0x1];
	s2 =	simm.s32 $0x0  }
0x3: {  	s3 =	srdreg.scid;
	s5 =	stileid.u32;
	s8 =	simm.s32 $0x80  }
0x4: {  	s9 =	simm.s32 $0x8000;
	s10 =	simm.s32 $0x48;
	s12 =	simm.s32 $0xC000  }
0x5: {  	s13 =	simm.s32 $0xE400;
	s14 =	simm.s32 $0x480;
	s15 =	simm.s32 $0x12400  }
0x6: {  	s16 =	simm.s32 $0x100;
	s17 =	simm.s32 $0x14800;
	s18 =	simm.s32 $0x500  }
0x7: {  	s19 =	simm.s32 $0x18800;
	s20 =	simm.s32 $0x1;
	s21 =	simm.s32 $0x2  }
0x8: {  	s22 =	simm.s32 $0x3;
	s23 =	simm.s32 $0x7B00;
	s24 =	simm.s32 $0x7F00  }
0x9: {  	s25 =	simm.s32 $0x7B80;
	s26 =	simm.s32 $0x7F80;
	s28 =	simm.s32 $0x1AC00  }
0xa: {  	s29 =	simm.s32 $0x0;
	[smem:$0x7FF] =	sst s2;
	s4 =	sand.u32 $0x1, s3  }
0xb: {  	s5 =	sshll.u32 s5, $0x8;
	s3 =	sadd.s32 $0x1200, s1;
	s6 =	sshll.u32 s4, $0x7  }
0xc: {  	_ =	strace $0x80000047;
	s4 =	ssub.s32 $0x2, s4;
	s5 =	sor.u32 s6, s5  }
0xd: {  	s7 =	sshrl.u32 s4, $0x1;
	s6 =	sshll.u32 s5, $0x4;
	s5 =	sshll.u32 s5, $0x5  }
0xe: {  	s31 =	ssub.s32 s4, s7;
	s7 =	simm.s32 $0x4;
	s1 =	sadd.s32 s6, s1  }
0xf: {  	s4 =	sadd.s32 s0, s5;
	s6 =	smax.u32 s31, $0x1;
	s5 =	sadd.s32 $0xF43600, s1  }
.LBB2_1:
0x10: {  	[tilespmem:s2], [sflag:$0x4] =	stream.linear.gather [hbm4b:s4+s2], $0x8000, $0x38;
	[tilespmem:$0x1EC00] =	vst v63  }
0x11: {  	_ =	swait.ge [sflag:s7], $0x8000  }
0x12: {  	[sflag:s7] =	ssyncset.done $0x0  }
0x13: {  	[sflag:s7] =	ssyncadd.s32 $0xFFFF8000  }
0x14: {  	[tilespmem:s9], [sflag:$0x1] =	stream.indirect.gather [hbm4b:s3+s8], $0x80, s2, s8, $0xb8;
	[tilespmem:$0x1EC00] =	vst v63  }
0x15: {  	s0 =	simm.s32 $0x400  }
0x16: {  	[tilespmem:s12], [sflag:$0x1] =	stream.indirect.gather [hbm4b:s3+s10], $0x80, s0, s10, $0xb8;
	[tilespmem:$0x1EC00] =	vst v63  }
0x17: {  	_ = 	snop  }
0x18: {  	[tilespmem:s13], [sflag:$0x2] =	stream.indirect.gather [hbm4b:s3+s8], $0x80, s8, s8, $0xb8;
	[tilespmem:$0x1EC00] =	vst v63  }
0x19: {  	_ = 	snop  }
0x1a: {  	[tilespmem:s15], [sflag:$0x2] =	stream.indirect.gather [hbm4b:s3+s10], $0x80, s14, s10, $0xb8;
	[tilespmem:$0x1EC00] =	vst v63  }
0x1b: {  	_ = 	snop  }
0x1c: {  	[tilespmem:s17], [sflag:$0x3] =	stream.indirect.gather [hbm4b:s3+s8], $0x80, s16, s8, $0xb8;
	[tilespmem:$0x1EC00] =	vst v63  }
0x1d: {  	s30 =	simm.s32 $0x0  }
0x1e: {  	[tilespmem:s19], [sflag:$0x3] =	stream.indirect.gather [hbm4b:s3+s10], $0x80, s18, s10, $0xb8;
	[tilespmem:$0x1EC00] =	vst v63  }
.LBB2_2:
0x1f: {  	_ =	swait.ge [sflag:s20], $0x6400  }
0x20: {  	[sflag:s20] =	ssyncset.done $0x0  }
0x21: {  	s1 =	simm.s32 $0x0;
	[sflag:s20] =	ssyncadd.s32 $0xFFFF9C00  }
0x22: {  	v1 =	vld [tilespmem:s1+$0x8030]  }
0x23: {  	v2 =	vld [tilespmem:s1+$0x8000]  }
0x24: {  	v0 =	vimm.f32 $0.0e+00;
	v3 =	vld [tilespmem:s1+$0x8010]  }
0x25: {  	s0 =	simm.s32 $0x200;
	v7 =	vimm.f32 $0.0e+00;
	v6 =	vimm.f32 $0.0e+00;
	v5 =	vimm.f32 $0.0e+00;
	v4 =	vld [tilespmem:s1+$0x8020]  }
.LBB2_3:
0x26: {  	p0 =	sne.s32 s0, $0x18E00  }
.Ltmp0:
0x27: {  	s1 =	sshra.s32 s0, $0x2;
	s0 =	sadd.s32 $0x200, s0;
	v0 =	vadd.f32 v1, v0;
	(pc) =	sbr.rel @p0 .LBB2_3-.Ltmp0, $4  }
0x28: {  	v1 =	vld [tilespmem:s1+$0x8030];
	v7 =	vadd.f32 v2, v7  }
0x29: {  	v2 =	vld [tilespmem:s1+$0x8000];
	v6 =	vadd.f32 v3, v6  }
0x2a: {  	v3 =	vld [tilespmem:s1+$0x8010];
	v5 =	vadd.f32 v4, v5  }
0x2b: {  	v4 =	vld [tilespmem:s1+$0x8020]  }
0x2c: {  	s1 =	smul.u32 $0x600, s30  }
0x2d: {  	s0 =	smul.u32 $0x3, s30;
	v0 =	vadd.f32 v1, v0  }
0x2e: {  	v2 =	vadd.f32 v2, v7;
	s31 =	sshra.s32 s1, $0x2  }
0x2f: {  	s1 =	sadd.s32 $0x3, s0;
	v3 =	vadd.f32 v3, v6;
	[tilespmem:s31+$0x1AC30] =	vst v0  }
0x30: {  	s11 =	sshll.u32 s1, $0x8;
	s1 =	sshll.u32 s1, $0x7;
	v4 =	vadd.f32 v4, v5;
	[tilespmem:s31+$0x1AC00] =	vst v2  }
0x31: {  	s11 =	sand.u32 $0x1F800, s11;
	s1 =	sand.u32 $0x380, s1;
	[tilespmem:s31+$0x1AC10] =	vst v3  }
0x32: {  	s1 =	sor.u32 s1, s11;
	[tilespmem:s31+$0x1AC20] =	vst v4  }
0x33: {  	[tilespmem:s9], [sflag:$0x1] =	stream.indirect.gather [hbm4b:s3+s8], $0x80, s1, s8, $0xb8;
	[tilespmem:$0x1EC00] =	vst v63  }
0x34: {  	s1 =	sor.u32 $0x400, s1  }
0x35: {  	[tilespmem:s12], [sflag:$0x1] =	stream.indirect.gather [hbm4b:s3+s10], $0x80, s1, s10, $0xb8;
	[tilespmem:$0x1EC00] =	vst v63  }
0x36: {  	_ =	swait.ge [sflag:s21], $0x6400  }
0x37: {  	[sflag:s21] =	ssyncset.done $0x0  }
0x38: {  	s11 =	simm.s32 $0xFFFF9C00;
	[sflag:s21] =	ssyncadd.s32 $0xFFFF9C00  }
0x39: {  	v1 =	vld [tilespmem:s11+$0x14830]  }
0x3a: {  	v2 =	vld [tilespmem:s11+$0x14800]  }
0x3b: {  	v7 =	vimm.f32 $0.0e+00;
	v3 =	vld [tilespmem:s11+$0x14810]  }
0x3c: {  	v0 =	vimm.f32 $0.0e+00;
	v6 =	vimm.f32 $0.0e+00;
	v5 =	vimm.f32 $0.0e+00;
	s1 =	simm.s32 $0xFFFE7200;
	v4 =	vld [tilespmem:s11+$0x14820]  }
.LBB2_5:
0x3d: {  	p0 =	sne.s32 s1, $0xFFFFFE00  }
.Ltmp1:
0x3e: {  	s11 =	sshra.s32 s1, $0x2;
	s1 =	sadd.s32 $0x200, s1;
	v0 =	vadd.f32 v1, v0;
	(pc) =	sbr.rel @p0 .LBB2_5-.Ltmp1, $4  }
0x3f: {  	v1 =	vld [tilespmem:s11+$0x14830];
	v5 =	vadd.f32 v2, v5  }
0x40: {  	v2 =	vld [tilespmem:s11+$0x14800];
	v6 =	vadd.f32 v3, v6  }
0x41: {  	v3 =	vld [tilespmem:s11+$0x14810];
	v7 =	vadd.f32 v4, v7  }
0x42: {  	v4 =	vld [tilespmem:s11+$0x14820]  }
0x43: {  	_ = 	snop  }
0x44: {  	v0 =	vadd.f32 v1, v0  }
0x45: {  	v2 =	vadd.f32 v2, v5  }
0x46: {  	s1 =	sadd.s32 $0x4, s0;
	v3 =	vadd.f32 v3, v6;
	[tilespmem:s31+$0x1ACB0] =	vst v0  }
0x47: {  	s11 =	sshll.u32 s1, $0x8;
	s1 =	sshll.u32 s1, $0x7;
	v4 =	vadd.f32 v4, v7;
	[tilespmem:s31+$0x1AC80] =	vst v2  }
0x48: {  	s11 =	sand.u32 $0x1F800, s11;
	s1 =	sand.u32 $0x380, s1;
	[tilespmem:s31+$0x1AC90] =	vst v3  }
0x49: {  	s1 =	sor.u32 s1, s11;
	[tilespmem:s31+$0x1ACA0] =	vst v4  }
0x4a: {  	[tilespmem:s13], [sflag:$0x2] =	stream.indirect.gather [hbm4b:s3+s8], $0x80, s1, s8, $0xb8;
	[tilespmem:$0x1EC00] =	vst v63  }
0x4b: {  	s1 =	sor.u32 $0x400, s1  }
0x4c: {  	[tilespmem:s15], [sflag:$0x2] =	stream.indirect.gather [hbm4b:s3+s10], $0x80, s1, s10, $0xb8;
	[tilespmem:$0x1EC00] =	vst v63  }
0x4d: {  	_ =	swait.ge [sflag:s22], $0x6400  }
0x4e: {  	[sflag:s22] =	ssyncset.done $0x0  }
0x4f: {  	s11 =	simm.s32 $0xFFFF9C00;
	[sflag:s22] =	ssyncadd.s32 $0xFFFF9C00  }
0x50: {  	v1 =	vld [tilespmem:s11+$0x1AC30]  }
0x51: {  	v2 =	vld [tilespmem:s11+$0x1AC00]  }
0x52: {  	v5 =	vimm.f32 $0.0e+00;
	v3 =	vld [tilespmem:s11+$0x1AC10]  }
0x53: {  	v0 =	vimm.f32 $0.0e+00;
	v6 =	vimm.f32 $0.0e+00;
	v7 =	vimm.f32 $0.0e+00;
	s1 =	simm.s32 $0xFFFE7200;
	v4 =	vld [tilespmem:s11+$0x1AC20]  }
.LBB2_7:
0x54: {  	p0 =	sne.s32 s1, $0xFFFFFE00  }
.Ltmp2:
0x55: {  	s11 =	sshra.s32 s1, $0x2;
	s1 =	sadd.s32 $0x200, s1;
	v0 =	vadd.f32 v1, v0;
	(pc) =	sbr.rel @p0 .LBB2_7-.Ltmp2, $4  }
0x56: {  	v1 =	vld [tilespmem:s11+$0x1AC30];
	v5 =	vadd.f32 v2, v5  }
0x57: {  	v2 =	vld [tilespmem:s11+$0x1AC00];
	v6 =	vadd.f32 v3, v6  }
0x58: {  	v3 =	vld [tilespmem:s11+$0x1AC10];
	v7 =	vadd.f32 v4, v7  }
0x59: {  	v4 =	vld [tilespmem:s11+$0x1AC20]  }
0x5a: {  	_ = 	snop  }
0x5b: {  	v0 =	vadd.f32 v1, v0  }
0x5c: {  	v2 =	vadd.f32 v2, v5  }
0x5d: {  	s0 =	sadd.s32 $0x5, s0;
	s30 =	sadd.s32 $0x1, s30;
	v3 =	vadd.f32 v3, v6;
	[tilespmem:s31+$0x1AD30] =	vst v0  }
0x5e: {  	s1 =	sshll.u32 s0, $0x8;
	s0 =	sshll.u32 s0, $0x7;
	p0 =	sne.s32 s30, $0x29;
	v4 =	vadd.f32 v4, v7;
	[tilespmem:s31+$0x1AD00] =	vst v2  }
.Ltmp3:
0x5f: {  	s1 =	sand.u32 $0x1F800, s1;
	s0 =	sand.u32 $0x380, s0;
	[tilespmem:s31+$0x1AD10] =	vst v3;
	(pc) =	sbr.rel @p0 .LBB2_2-.Ltmp3, $4  }
0x60: {  	s0 =	sor.u32 s0, s1;
	[tilespmem:s31+$0x1AD20] =	vst v4  }
0x61: {  	[tilespmem:s17], [sflag:$0x3] =	stream.indirect.gather [hbm4b:s3+s8], $0x80, s0, s8, $0xb8;
	[tilespmem:$0x1EC00] =	vst v63  }
0x62: {  	s0 =	sor.u32 $0x400, s0  }
0x63: {  	[tilespmem:s19], [sflag:$0x3] =	stream.indirect.gather [hbm4b:s3+s10], $0x80, s0, s10, $0xb8;
	[tilespmem:$0x1EC00] =	vst v63  }
0x64: {  	_ =	swait.ge [sflag:s20], $0x6400  }
0x65: {  	[sflag:s20] =	ssyncset.done $0x0  }
0x66: {  	s1 =	simm.s32 $0x0;
	[sflag:s20] =	ssyncadd.s32 $0xFFFF9C00  }
0x67: {  	v1 =	vld [tilespmem:s1+$0x8030]  }
0x68: {  	v2 =	vld [tilespmem:s1+$0x8000]  }
0x69: {  	v0 =	vimm.f32 $0.0e+00;
	v3 =	vld [tilespmem:s1+$0x8010]  }
0x6a: {  	s0 =	simm.s32 $0x200;
	v5 =	vimm.f32 $0.0e+00;
	v6 =	vimm.f32 $0.0e+00;
	v7 =	vimm.f32 $0.0e+00;
	v4 =	vld [tilespmem:s1+$0x8020]  }
.LBB2_10:
0x6b: {  	p0 =	sne.s32 s0, $0x18E00  }
.Ltmp4:
0x6c: {  	s1 =	sshra.s32 s0, $0x2;
	s0 =	sadd.s32 $0x200, s0;
	v0 =	vadd.f32 v1, v0;
	(pc) =	sbr.rel @p0 .LBB2_10-.Ltmp4, $4  }
0x6d: {  	v1 =	vld [tilespmem:s1+$0x8030];
	v5 =	vadd.f32 v2, v5  }
0x6e: {  	v2 =	vld [tilespmem:s1+$0x8000];
	v6 =	vadd.f32 v3, v6  }
0x6f: {  	v3 =	vld [tilespmem:s1+$0x8010];
	v7 =	vadd.f32 v4, v7  }
0x70: {  	v4 =	vld [tilespmem:s1+$0x8020]  }
0x71: {  	_ = 	snop  }
0x72: {  	v0 =	vadd.f32 v1, v0  }
0x73: {  	v2 =	vadd.f32 v2, v5  }
0x74: {  	v3 =	vadd.f32 v3, v6;
	[tilespmem:$0x1E9B0] =	vst v0  }
0x75: {  	v4 =	vadd.f32 v4, v7;
	[tilespmem:$0x1E980] =	vst v2  }
0x76: {  	[tilespmem:$0x1E990] =	vst v3  }
0x77: {  	[tilespmem:$0x1E9A0] =	vst v4  }
0x78: {  	[tilespmem:s9], [sflag:$0x1] =	stream.indirect.gather [hbm4b:s3+s8], $0x80, s23, s8, $0xb8;
	[tilespmem:$0x1EC00] =	vst v63  }
0x79: {  	_ = 	snop  }
0x7a: {  	[tilespmem:s12], [sflag:$0x1] =	stream.indirect.gather [hbm4b:s3+s10], $0x80, s24, s10, $0xb8;
	[tilespmem:$0x1EC00] =	vst v63  }
0x7b: {  	_ =	swait.ge [sflag:s21], $0x6400  }
0x7c: {  	[sflag:s21] =	ssyncset.done $0x0  }
0x7d: {  	s1 =	simm.s32 $0xFFFF9C00;
	[sflag:s21] =	ssyncadd.s32 $0xFFFF9C00  }
0x7e: {  	v1 =	vld [tilespmem:s1+$0x14830]  }
0x7f: {  	v2 =	vld [tilespmem:s1+$0x14800]  }
0x80: {  	v5 =	vimm.f32 $0.0e+00;
	v3 =	vld [tilespmem:s1+$0x14810]  }
0x81: {  	s0 =	simm.s32 $0xFFFE7200;
	v0 =	vimm.f32 $0.0e+00;
	v6 =	vimm.f32 $0.0e+00;
	v7 =	vimm.f32 $0.0e+00;
	v4 =	vld [tilespmem:s1+$0x14820]  }
.LBB2_12:
0x82: {  	p0 =	sne.s32 s0, $0xFFFFFE00  }
.Ltmp5:
0x83: {  	s1 =	sshra.s32 s0, $0x2;
	s0 =	sadd.s32 $0x200, s0;
	v0 =	vadd.f32 v1, v0;
	(pc) =	sbr.rel @p0 .LBB2_12-.Ltmp5, $4  }
0x84: {  	v1 =	vld [tilespmem:s1+$0x14830];
	v5 =	vadd.f32 v2, v5  }
0x85: {  	v2 =	vld [tilespmem:s1+$0x14800];
	v6 =	vadd.f32 v3, v6  }
0x86: {  	v3 =	vld [tilespmem:s1+$0x14810];
	v7 =	vadd.f32 v4, v7  }
0x87: {  	v4 =	vld [tilespmem:s1+$0x14820]  }
0x88: {  	_ = 	snop  }
0x89: {  	v0 =	vadd.f32 v1, v0  }
0x8a: {  	v2 =	vadd.f32 v2, v5  }
0x8b: {  	v3 =	vadd.f32 v3, v6;
	[tilespmem:$0x1EA30] =	vst v0  }
0x8c: {  	v4 =	vadd.f32 v4, v7;
	[tilespmem:$0x1EA00] =	vst v2  }
0x8d: {  	[tilespmem:$0x1EA10] =	vst v3  }
0x8e: {  	[tilespmem:$0x1EA20] =	vst v4  }
0x8f: {  	[tilespmem:s13], [sflag:$0x2] =	stream.indirect.gather [hbm4b:s3+s8], $0x80, s25, s8, $0xb8;
	[tilespmem:$0x1EC00] =	vst v63  }
0x90: {  	_ = 	snop  }
0x91: {  	[tilespmem:s15], [sflag:$0x2] =	stream.indirect.gather [hbm4b:s3+s10], $0x80, s26, s10, $0xb8;
	[tilespmem:$0x1EC00] =	vst v63  }
0x92: {  	_ =	swait.ge [sflag:s22], $0x6400  }
0x93: {  	[sflag:s22] =	ssyncset.done $0x0  }
0x94: {  	s1 =	simm.s32 $0xFFFF9C00;
	[sflag:s22] =	ssyncadd.s32 $0xFFFF9C00  }
0x95: {  	v1 =	vld [tilespmem:s1+$0x1AC30]  }
0x96: {  	v2 =	vld [tilespmem:s1+$0x1AC00]  }
0x97: {  	v5 =	vimm.f32 $0.0e+00;
	v3 =	vld [tilespmem:s1+$0x1AC10]  }
0x98: {  	s0 =	simm.s32 $0xFFFE7200;
	v0 =	vimm.f32 $0.0e+00;
	v6 =	vimm.f32 $0.0e+00;
	v7 =	vimm.f32 $0.0e+00;
	v4 =	vld [tilespmem:s1+$0x1AC20]  }
.LBB2_14:
0x99: {  	p0 =	sne.s32 s0, $0xFFFFFE00  }
.Ltmp6:
0x9a: {  	s1 =	sshra.s32 s0, $0x2;
	s0 =	sadd.s32 $0x200, s0;
	v0 =	vadd.f32 v1, v0;
	(pc) =	sbr.rel @p0 .LBB2_14-.Ltmp6, $4  }
0x9b: {  	v1 =	vld [tilespmem:s1+$0x1AC30];
	v5 =	vadd.f32 v2, v5  }
0x9c: {  	v2 =	vld [tilespmem:s1+$0x1AC00];
	v6 =	vadd.f32 v3, v6  }
0x9d: {  	v3 =	vld [tilespmem:s1+$0x1AC10];
	v7 =	vadd.f32 v4, v7  }
0x9e: {  	v4 =	vld [tilespmem:s1+$0x1AC20]  }
0x9f: {  	_ = 	snop  }
0xa0: {  	v0 =	vadd.f32 v1, v0  }
0xa1: {  	v2 =	vadd.f32 v2, v5  }
0xa2: {  	v3 =	vadd.f32 v3, v6;
	[tilespmem:$0x1EAB0] =	vst v0  }
0xa3: {  	v4 =	vadd.f32 v4, v7;
	[tilespmem:$0x1EA80] =	vst v2  }
0xa4: {  	[tilespmem:$0x1EA90] =	vst v3  }
0xa5: {  	[tilespmem:$0x1EAA0] =	vst v4  }
0xa6: {  	_ =	swait.ge [sflag:s20], $0x6400  }
0xa7: {  	[sflag:s20] =	ssyncset.done $0x0  }
0xa8: {  	s1 =	simm.s32 $0x0;
	[sflag:s20] =	ssyncadd.s32 $0xFFFF9C00  }
0xa9: {  	v1 =	vld [tilespmem:s1+$0x8030]  }
0xaa: {  	v2 =	vld [tilespmem:s1+$0x8000]  }
0xab: {  	v5 =	vimm.f32 $0.0e+00;
	v3 =	vld [tilespmem:s1+$0x8010]  }
0xac: {  	s0 =	simm.s32 $0x200;
	v0 =	vimm.f32 $0.0e+00;
	v6 =	vimm.f32 $0.0e+00;
	v7 =	vimm.f32 $0.0e+00;
	v4 =	vld [tilespmem:s1+$0x8020]  }
.LBB2_16:
0xad: {  	p0 =	sne.s32 s0, $0x18E00  }
.Ltmp7:
0xae: {  	s1 =	sshra.s32 s0, $0x2;
	s0 =	sadd.s32 $0x200, s0;
	v0 =	vadd.f32 v1, v0;
	(pc) =	sbr.rel @p0 .LBB2_16-.Ltmp7, $4  }
0xaf: {  	v1 =	vld [tilespmem:s1+$0x8030];
	v5 =	vadd.f32 v2, v5  }
0xb0: {  	v2 =	vld [tilespmem:s1+$0x8000];
	v6 =	vadd.f32 v3, v6  }
0xb1: {  	v3 =	vld [tilespmem:s1+$0x8010];
	v7 =	vadd.f32 v4, v7  }
0xb2: {  	v4 =	vld [tilespmem:s1+$0x8020]  }
0xb3: {  	_ = 	snop  }
0xb4: {  	v0 =	vadd.f32 v1, v0  }
0xb5: {  	v2 =	vadd.f32 v2, v5  }
0xb6: {  	v3 =	vadd.f32 v3, v6;
	[tilespmem:$0x1EB30] =	vst v0  }
0xb7: {  	v4 =	vadd.f32 v4, v7;
	[tilespmem:$0x1EB00] =	vst v2  }
0xb8: {  	[tilespmem:$0x1EB10] =	vst v3  }
0xb9: {  	[tilespmem:$0x1EB20] =	vst v4  }
0xba: {  	_ =	swait.ge [sflag:s21], $0x6400  }
0xbb: {  	[sflag:s21] =	ssyncset.done $0x0  }
0xbc: {  	s1 =	simm.s32 $0xFFFF9C00;
	[sflag:s21] =	ssyncadd.s32 $0xFFFF9C00  }
0xbd: {  	v1 =	vld [tilespmem:s1+$0x14830]  }
0xbe: {  	v2 =	vld [tilespmem:s1+$0x14800]  }
0xbf: {  	v5 =	vimm.f32 $0.0e+00;
	v3 =	vld [tilespmem:s1+$0x14810]  }
0xc0: {  	s0 =	simm.s32 $0xFFFE7200;
	v0 =	vimm.f32 $0.0e+00;
	v6 =	vimm.f32 $0.0e+00;
	v7 =	vimm.f32 $0.0e+00;
	v4 =	vld [tilespmem:s1+$0x14820]  }
.LBB2_18:
0xc1: {  	p0 =	sne.s32 s0, $0xFFFFFE00  }
.Ltmp8:
0xc2: {  	s1 =	sshra.s32 s0, $0x2;
	s0 =	sadd.s32 $0x200, s0;
	v0 =	vadd.f32 v1, v0;
	(pc) =	sbr.rel @p0 .LBB2_18-.Ltmp8, $4  }
0xc3: {  	v1 =	vld [tilespmem:s1+$0x14830];
	v5 =	vadd.f32 v2, v5  }
0xc4: {  	v2 =	vld [tilespmem:s1+$0x14800];
	v6 =	vadd.f32 v3, v6  }
0xc5: {  	v3 =	vld [tilespmem:s1+$0x14810];
	v7 =	vadd.f32 v4, v7  }
0xc6: {  	v4 =	vld [tilespmem:s1+$0x14820]  }
0xc7: {  	_ = 	snop  }
0xc8: {  	v0 =	vadd.f32 v1, v0  }
0xc9: {  	v2 =	vadd.f32 v2, v5  }
0xca: {  	v3 =	vadd.f32 v3, v6;
	[tilespmem:$0x1EBB0] =	vst v0  }
0xcb: {  	s29 =	sadd.s32 $0x1, s29;
	v4 =	vadd.f32 v4, v7;
	[tilespmem:$0x1EB80] =	vst v2  }
0xcc: {  	p0 =	sne.s32 s29, s6;
	[tilespmem:$0x1EB90] =	vst v3  }
.Ltmp9:
0xcd: {  	[tilespmem:$0x1EBA0] =	vst v4;
	(pc) =	sbr.rel @p0 .LBB2_1-.Ltmp9, $4  }
0xce: {  	[hbm4b:s5+s2] =	stream.linear.scatter [tilespmem:s28], [sflag:$0x4], $0x4000, $0x38;
	[tilespmem:$0x1EC00] =	vst v63  }
0xcf: {  	_ =	swait.ge [sflag:s7], $0x4000  }
0xd0: {  	[sflag:s7] =	ssyncset.done $0x0  }
0xd1: {  	[sflag:s7] =	ssyncadd.s32 $0xFFFFC000  }
0xd2: {  	_ =	sfence.sel $0x180000  }
0xd3: {  	[bflag:$0x0] =	sbarrier.arrive $0xFFFF  }
0xd4: {  	_ =	strace $0x90000047  }
0xd5: {  	s0 =	stileid.u32;
	[bflag:$0x2] =	sbarrier.arrive $0xFFFF  }
0xd6: {  	p0 =	sne.s32 s0, $0x0;
	s0 =	rddreg [dreg:$0x2]  }
0xd7: {  	s0 =	sadd.s32 @!p0 $0x100000, s0  }
0xd8: {  	[sflag:s0] =	ssyncadd.tile.s32 @!p0 $0x1;
	_ =	shalt  }
.Lfunc_end2:
_tile_overlayer_lowered:
.L_overlay_start_2:
0xd9: {  	(tag) =	ssettag $0x2  }
0xda: {  	s0 =	rddreg [dreg:$0x0];
	s2 =	stileid.u32  }
0xdb: {  	s1 =	rddreg [dreg:$0x1];
	p0 =	sne.s32 s2, $0x0  }
0xdc: {  	s3 =	rddreg [dreg:$0x2];
	[bflag:$0x3] =	sbarrier.arrive $0xFFFF;
	s2 =	simm.s32 @!p0 $0x1C04  }
0xdd: {  	[timem:s3], [sflag:s2] =	dma.local @!p0 [hbm:s0], s1  }
0xde: {  	s0 =	simm.s32 @!p0 $0x4  }
0xdf: {  	_ =	swait.ge @!p0 [sflag:s0], s1  }
0xe0: {  	s1 =	ssub.s32 @!p0 $0x0, s1;
	[sflag:s0] =	ssyncset.done @!p0 $0x0  }
0xe1: {  	[sflag:s0] =	ssyncadd.s32 @!p0 s1  }
0xe2: {  	[bflag:$0x3] =	sbarrier.arrive $0xFFFF  }
0xe3: {  	_ =	shalt  }

</sc_bundles>
